<compile_context>
chip_gen: v7x
topology: tpu7x:2x2x1
jax: 0.10.2.dev20260603
libtpu: 0.0.44.dev20260713+nightly
codegen_flags: <defaults>
</compile_context>

<pallas_src>
import functools

import jax
import jax.numpy as jnp
from jax import lax
from jax.experimental import pallas as pl
from jax.experimental.pallas import tpu as pltpu
from jax.experimental.pallas import tpu_sc as plsc

N = 10000
D_IN = 256
E = 160000

NC = 2
NS = 16
DH = D_IN // NC
EPW = E // NS
CH = 80
NCH = EPW // CH
K = 4
RPW = 624
RPW_LAST = N - (NS - 1) * RPW


def _sc_aggregate(src, dst, xa, xb):
    mesh = plsc.VectorSubcoreMesh(core_axis_name="c", subcore_axis_name="s",
                                  num_cores=NC, num_subcores=NS)

    scratch = dict(
        acc=pltpu.VMEM_SHARED((N, DH), jnp.float32),
        isem=pltpu.SemaphoreType.DMA((K,)),
        jsem=pltpu.SemaphoreType.DMA((K,)),
        gsem=pltpu.SemaphoreType.DMA((K,)),
        ssem=pltpu.SemaphoreType.DMA((K,)),
    )
    for b in range(K):
        scratch[f"sidx{b}"] = pltpu.VMEM((CH,), jnp.int32)
        scratch[f"didx{b}"] = pltpu.VMEM((CH,), jnp.int32)
        scratch[f"rows{b}"] = pltpu.VMEM((CH, DH), jnp.float32)

    @functools.partial(
        pl.kernel,
        out_type=(jax.ShapeDtypeStruct((N, DH), jnp.float32),
                  jax.ShapeDtypeStruct((N, DH), jnp.float32)),
        mesh=mesh,
        scratch_types=scratch,
    )
    def agg(src_hbm, dst_hbm, xa_hbm, xb_hbm, oa_hbm, ob_hbm, **scr):
        c = lax.axis_index("c")
        s = lax.axis_index("s")
        sidx = [scr[f"sidx{b}"] for b in range(K)]
        didx = [scr[f"didx{b}"] for b in range(K)]
        rows = [scr[f"rows{b}"] for b in range(K)]
        acc = scr["acc"]
        isem, jsem = scr["isem"], scr["jsem"]
        gsem, ssem = scr["gsem"], scr["ssem"]

        def init_from(x_hbm):
            @pl.when(s < NS - 1)
            def _():
                pltpu.sync_copy(x_hbm.at[pl.ds(s * RPW, RPW)],
                                acc.at[pl.ds(s * RPW, RPW)])

            @pl.when(s == NS - 1)
            def _():
                pltpu.sync_copy(x_hbm.at[pl.ds((NS - 1) * RPW, RPW_LAST)],
                                acc.at[pl.ds((NS - 1) * RPW, RPW_LAST)])

        base = s * EPW

        def pipeline(x_hbm):
            def wait_scatter(b):
                pltpu.make_async_copy(rows[b], acc.at[didx[b]],
                                      ssem.at[b]).wait()

            def f1(f, b):
                pltpu.async_copy(src_hbm.at[pl.ds(base + f * CH, CH)],
                                 sidx[b], isem.at[b])
                pltpu.async_copy(dst_hbm.at[pl.ds(base + f * CH, CH)],
                                 didx[b], jsem.at[b])

            def f1_guarded(f, b):
                @pl.when(f >= K)
                def _():
                    wait_scatter(b)

                f1(f, b)

            def f2(b):
                pltpu.make_async_copy(src_hbm.at[pl.ds(base, CH)],
                                      sidx[b], isem.at[b]).wait()
                pltpu.async_copy(x_hbm.at[sidx[b]], rows[b], gsem.at[b])

            def s3(b):
                pltpu.make_async_copy(dst_hbm.at[pl.ds(base, CH)],
                                      didx[b], jsem.at[b]).wait()
                pltpu.make_async_copy(x_hbm.at[sidx[b]], rows[b],
                                      gsem.at[b]).wait()
                pltpu.async_copy(rows[b], acc.at[didx[b]], ssem.at[b],
                                 add=True)

            f1(0, 0)
            f1(1, 1)
            f2(0)
            init_from(x_hbm)
            plsc.subcore_barrier()

            def body(q, carry):
                g0 = q * K
                for b in range(K):
                    g = g0 + b

                    @pl.when(g + 2 < NCH)
                    def _():
                        f1_guarded(g + 2, (b + 2) % K)

                    f2((b + 1) % K)
                    s3(b)
                return carry

            lax.fori_loop(0, NCH // K, body, 0)

            s3(0)
            for b in range(K):
                wait_scatter(b)

        @pl.when(c == 0)
        def _():
            pipeline(xa_hbm)

        @pl.when(c == 1)
        def _():
            pipeline(xb_hbm)

        plsc.subcore_barrier()

        def write_to(o_hbm):
            @pl.when(s < NS - 1)
            def _():
                pltpu.sync_copy(acc.at[pl.ds(s * RPW, RPW)],
                                o_hbm.at[pl.ds(s * RPW, RPW)])

            @pl.when(s == NS - 1)
            def _():
                pltpu.sync_copy(acc.at[pl.ds((NS - 1) * RPW, RPW_LAST)],
                                o_hbm.at[pl.ds((NS - 1) * RPW, RPW_LAST)])

        @pl.when(c == 0)
        def _():
            write_to(oa_hbm)

        @pl.when(c == 1)
        def _():
            write_to(ob_hbm)

    return agg(src, dst, xa, xb)


ROW_BLK = 2000


def _mlp_kernel(ha_ref, hb_ref, w1a_ref, w1b_ref, b1_ref, w2_ref, b2_ref,
                w3_ref, b3_ref, o_ref):
    t = jnp.dot(ha_ref[...], w1a_ref[...],
                preferred_element_type=jnp.float32)
    t += jnp.dot(hb_ref[...], w1b_ref[...],
                 preferred_element_type=jnp.float32)
    t = jnp.maximum(t + b1_ref[...], 0.0)
    t = jnp.dot(t, w2_ref[...], preferred_element_type=jnp.float32)
    t = jnp.maximum(t + b2_ref[...], 0.0)
    t = jnp.dot(t, w3_ref[...], preferred_element_type=jnp.float32)
    o_ref[...] = t + b3_ref[...]


def _mlp(ha, hb, W1, b1, W2, b2, W3, b3):
    d_hid = W1.shape[1]
    d_out = W3.shape[1]
    full = lambda r, c_: pl.BlockSpec((r, c_), lambda i: (0, 0))
    return pl.pallas_call(
        _mlp_kernel,
        grid=(N // ROW_BLK,),
        in_specs=[
            pl.BlockSpec((ROW_BLK, DH), lambda i: (i, 0)),
            pl.BlockSpec((ROW_BLK, DH), lambda i: (i, 0)),
            full(DH, d_hid),
            full(DH, d_hid),
            full(1, d_hid),
            full(d_hid, d_hid),
            full(1, d_hid),
            full(d_hid, d_out),
            full(1, d_out),
        ],
        out_specs=pl.BlockSpec((ROW_BLK, d_out), lambda i: (i, 0)),
        out_shape=jax.ShapeDtypeStruct((N, d_out), jnp.float32),
    )(ha, hb, W1[:DH], W1[DH:], b1.reshape(1, -1), W2, b2.reshape(1, -1),
      W3, b3.reshape(1, -1))


def kernel(x, edge_index, W1, b1, W2, b2, W3, b3):
    src = edge_index[0]
    dst = edge_index[1]
    xa = x[:, :DH]
    xb = x[:, DH:]
    ha, hb = _sc_aggregate(src, dst, xa, xb)
    return _mlp(ha, hb, W1, b1, W2, b2, W3, b3)

# --- scband reference (transcript-rebuilt; emitter-appended) ---
"""Pipeline reference for scband-gin-88287347737170 (READ-ONLY COPY).

The authoritative reference and input builder live on the scoring server;
editing this copy changes nothing except your own understanding.
"""

import jax, jax.numpy as jnp
import numpy as np

N, D_IN, D_HID, D_OUT, E = 10000, 256, 1024, 256, 160000

def setup_inputs(seed: int = 0) -> dict:
    key = jax.random.key(seed)
    ks = jax.random.split(key, 8)
    x = jax.random.normal(ks[0], (N, D_IN), dtype=jnp.float32)
    edge_index = jax.random.randint(ks[1], (2, E), 0, N, dtype=jnp.int32)
    W1 = jax.random.normal(ks[2], (D_IN, D_HID), dtype=jnp.float32) * (1.0 / np.sqrt(D_IN))
    b1 = jnp.zeros((D_HID,), dtype=jnp.float32)
    W2 = jax.random.normal(ks[3], (D_HID, D_HID), dtype=jnp.float32) * (1.0 / np.sqrt(D_HID))
    b2 = jnp.zeros((D_HID,), dtype=jnp.float32)
    W3 = jax.random.normal(ks[4], (D_HID, D_OUT), dtype=jnp.float32) * (1.0 / np.sqrt(D_HID))
    b3 = jnp.zeros((D_OUT,), dtype=jnp.float32)
    return {"x": x, "edge_index": edge_index, "W1": W1, "b1": b1, "W2": W2, "b2": b2, "W3": W3, "b3": b3}

def reference(x, edge_index, W1, b1, W2, b2, W3, b3):
    # GINConv (eps=0, train_eps=False): h = nn((1+eps)*x + sum_{j in N(i)} x_j)
    src = edge_index[0]
    dst = edge_index[1]
    msgs = jnp.take(x, src, axis=0)               # gather source node features per edge
    agg = jax.ops.segment_sum(msgs, dst, num_segments=x.shape[0])  # scatter-add to dst nodes
    h = x + agg                                   # (1 + eps) * x + agg with eps = 0
    # MLP: Linear -> ReLU -> Dropout(0)=identity -> Linear -> ReLU -> Dropout(0) -> Linear
    h = jnp.maximum(h @ W1 + b1, 0.0)
    h = jnp.maximum(h @ W2 + b2, 0.0)
    out = h @ W3 + b3
    return out

if __name__ == "__main__":
    import jax
    _d = setup_inputs()
    print(jax.jit(kernel)(*tuple(_d.values())))

</pallas_src>

<mosaic_0001>
#map = affine_map<(d0, d1) -> (0)>
#map1 = affine_map<(d0, d1) -> (0, 0)>
module attributes {stable_mosaic.version = 14 : i64} {
  func.func @agg(%arg0: i32, %arg1: i32, %arg2: memref<160000xi32, #tpu.memory_space<hbm>>, %arg3: memref<160000xi32, #tpu.memory_space<hbm>>, %arg4: memref<10000x128xf32, #tpu.memory_space<hbm>>, %arg5: memref<10000x128xf32, #tpu.memory_space<hbm>>, %arg6: memref<10000x128xf32, #tpu.memory_space<hbm>>, %arg7: memref<10000x128xf32, #tpu.memory_space<hbm>>, %arg8: memref<10000x128xf32, #tpu.memory_space<vmem_shared>>, %arg9: memref<80xi32, #tpu.memory_space<vmem>>, %arg10: memref<80xi32, #tpu.memory_space<vmem>>, %arg11: memref<80xi32, #tpu.memory_space<vmem>>, %arg12: memref<80xi32, #tpu.memory_space<vmem>>, %arg13: memref<4x!tpu.dma_semaphore, #tpu.memory_space<semaphore_mem>>, %arg14: memref<4x!tpu.dma_semaphore, #tpu.memory_space<semaphore_mem>>, %arg15: memref<4x!tpu.dma_semaphore, #tpu.memory_space<semaphore_mem>>, %arg16: memref<80x128xf32, #tpu.memory_space<vmem>>, %arg17: memref<80x128xf32, #tpu.memory_space<vmem>>, %arg18: memref<80x128xf32, #tpu.memory_space<vmem>>, %arg19: memref<80x128xf32, #tpu.memory_space<vmem>>, %arg20: memref<80xi32, #tpu.memory_space<vmem>>, %arg21: memref<80xi32, #tpu.memory_space<vmem>>, %arg22: memref<80xi32, #tpu.memory_space<vmem>>, %arg23: memref<80xi32, #tpu.memory_space<vmem>>, %arg24: memref<4x!tpu.dma_semaphore, #tpu.memory_space<semaphore_mem>>) attributes {dimension_semantics = [#tpu.dimension_semantics<core_parallel>, #tpu.dimension_semantics<subcore_parallel>], iteration_bounds = array<i64: 2, 16>, scalar_prefetch = 0 : i64, scratch_operands = 17 : i64, tpu.core_type = #tpu.core_type<sc_vector_subcore>, window_params = [{transform_indices = #map}, {transform_indices = #map}, {transform_indices = #map1}, {transform_indices = #map1}, {transform_indices = #map1}, {transform_indices = #map1}]} {
    %mul3A = arith.constant 10000 : i32
    %mul3A_0 = arith.muli %arg1, %mul3A : i32
    %eq3A = arith.constant 0 : i32
    %eq3A_1 = arith.cmpi eq, %arg0, %eq3A : i32
    %convert_element_type3A = arith.extui %eq3A_1 : i1 to i32
    %cond3A = arith.constant 0 : i32
    %cond3A_2 = arith.cmpi ne, %convert_element_type3A, %cond3A : i32
    scf.if %cond3A_2 {
      %add3A = arith.constant 0 : i32
      %add3A_18 = arith.addi %mul3A_0, %add3A : i32
      %dma_start3A = arith.constant 0 : i32
      %dma_start3A_19 = tpu.memref_slice %arg2[%add3A_18] : memref<160000xi32, #tpu.memory_space<hbm>> -> memref<80xi32, #tpu.memory_space<hbm>>
      %dma_start3A_20 = tpu.memref_slice %arg14[%dma_start3A] : memref<4x!tpu.dma_semaphore, #tpu.memory_space<semaphore_mem>> -> memref<1x!tpu.dma_semaphore, #tpu.memory_space<semaphore_mem>>
      %dma_start3A_21 = tpu.memref_squeeze %dma_start3A_20 : memref<1x!tpu.dma_semaphore, #tpu.memory_space<semaphore_mem>> -> memref<!tpu.dma_semaphore, #tpu.memory_space<semaphore_mem>>
      %dma_start3A_22 = tpu.memref_slice %arg2[%add3A_18] : memref<160000xi32, #tpu.memory_space<hbm>> -> memref<80xi32, #tpu.memory_space<hbm>>
      tpu.enqueue_dma source(%dma_start3A_22 : memref<80xi32, #tpu.memory_space<hbm>>) target(%arg20 : memref<80xi32, #tpu.memory_space<vmem>>) target_semaphore(%dma_start3A_21 : memref<!tpu.dma_semaphore, #tpu.memory_space<semaphore_mem>>)
      %add3A_23 = arith.constant 0 : i32
      %add3A_24 = arith.addi %mul3A_0, %add3A_23 : i32
      %dma_start3A_25 = arith.constant 0 : i32
      %dma_start3A_26 = tpu.memref_slice %arg3[%add3A_24] : memref<160000xi32, #tpu.memory_space<hbm>> -> memref<80xi32, #tpu.memory_space<hbm>>
      %dma_start3A_27 = tpu.memref_slice %arg15[%dma_start3A_25] : memref<4x!tpu.dma_semaphore, #tpu.memory_space<semaphore_mem>> -> memref<1x!tpu.dma_semaphore, #tpu.memory_space<semaphore_mem>>
      %dma_start3A_28 = tpu.memref_squeeze %dma_start3A_27 : memref<1x!tpu.dma_semaphore, #tpu.memory_space<semaphore_mem>> -> memref<!tpu.dma_semaphore, #tpu.memory_space<semaphore_mem>>
      %dma_start3A_29 = tpu.memref_slice %arg3[%add3A_24] : memref<160000xi32, #tpu.memory_space<hbm>> -> memref<80xi32, #tpu.memory_space<hbm>>
      tpu.enqueue_dma source(%dma_start3A_29 : memref<80xi32, #tpu.memory_space<hbm>>) target(%arg9 : memref<80xi32, #tpu.memory_space<vmem>>) target_semaphore(%dma_start3A_28 : memref<!tpu.dma_semaphore, #tpu.memory_space<semaphore_mem>>)
      %add3A_30 = arith.constant 80 : i32
      %add3A_31 = arith.addi %mul3A_0, %add3A_30 : i32
      %dma_start3A_32 = arith.constant 1 : i32
      %dma_start3A_33 = tpu.memref_slice %arg2[%add3A_31] : memref<160000xi32, #tpu.memory_space<hbm>> -> memref<80xi32, #tpu.memory_space<hbm>>
      %dma_start3A_34 = tpu.memref_slice %arg14[%dma_start3A_32] : memref<4x!tpu.dma_semaphore, #tpu.memory_space<semaphore_mem>> -> memref<1x!tpu.dma_semaphore, #tpu.memory_space<semaphore_mem>>
      %dma_start3A_35 = tpu.memref_squeeze %dma_start3A_34 : memref<1x!tpu.dma_semaphore, #tpu.memory_space<semaphore_mem>> -> memref<!tpu.dma_semaphore, #tpu.memory_space<semaphore_mem>>
      %dma_start3A_36 = tpu.memref_slice %arg2[%add3A_31] : memref<160000xi32, #tpu.memory_space<hbm>> -> memref<80xi32, #tpu.memory_space<hbm>>
      tpu.enqueue_dma source(%dma_start3A_36 : memref<80xi32, #tpu.memory_space<hbm>>) target(%arg21 : memref<80xi32, #tpu.memory_space<vmem>>) target_semaphore(%dma_start3A_35 : memref<!tpu.dma_semaphore, #tpu.memory_space<semaphore_mem>>)
      %add3A_37 = arith.constant 80 : i32
      %add3A_38 = arith.addi %mul3A_0, %add3A_37 : i32
      %dma_start3A_39 = arith.constant 1 : i32
      %dma_start3A_40 = tpu.memref_slice %arg3[%add3A_38] : memref<160000xi32, #tpu.memory_space<hbm>> -> memref<80xi32, #tpu.memory_space<hbm>>
      %dma_start3A_41 = tpu.memref_slice %arg15[%dma_start3A_39] : memref<4x!tpu.dma_semaphore, #tpu.memory_space<semaphore_mem>> -> memref<1x!tpu.dma_semaphore, #tpu.memory_space<semaphore_mem>>
      %dma_start3A_42 = tpu.memref_squeeze %dma_start3A_41 : memref<1x!tpu.dma_semaphore, #tpu.memory_space<semaphore_mem>> -> memref<!tpu.dma_semaphore, #tpu.memory_space<semaphore_mem>>
      %dma_start3A_43 = tpu.memref_slice %arg3[%add3A_38] : memref<160000xi32, #tpu.memory_space<hbm>> -> memref<80xi32, #tpu.memory_space<hbm>>
      tpu.enqueue_dma source(%dma_start3A_43 : memref<80xi32, #tpu.memory_space<hbm>>) target(%arg10 : memref<80xi32, #tpu.memory_space<vmem>>) target_semaphore(%dma_start3A_42 : memref<!tpu.dma_semaphore, #tpu.memory_space<semaphore_mem>>)
      %dma_wait3A = arith.constant 0 : i32
      %dma_wait3A_44 = tpu.memref_slice %arg2[%mul3A_0] : memref<160000xi32, #tpu.memory_space<hbm>> -> memref<80xi32, #tpu.memory_space<hbm>>
      %dma_wait3A_45 = tpu.memref_slice %arg14[%dma_wait3A] : memref<4x!tpu.dma_semaphore, #tpu.memory_space<semaphore_mem>> -> memref<1x!tpu.dma_semaphore, #tpu.memory_space<semaphore_mem>>
      %dma_wait3A_46 = tpu.memref_squeeze %dma_wait3A_45 : memref<1x!tpu.dma_semaphore, #tpu.memory_space<semaphore_mem>> -> memref<!tpu.dma_semaphore, #tpu.memory_space<semaphore_mem>>
      %dma_wait3A_47 = tpu.memref_slice %arg2[%mul3A_0] : memref<160000xi32, #tpu.memory_space<hbm>> -> memref<80xi32, #tpu.memory_space<hbm>>
      tpu.wait_dma2 semaphore(%dma_wait3A_46 : memref<!tpu.dma_semaphore, #tpu.memory_space<semaphore_mem>>) src(%dma_wait3A_47 : memref<80xi32, #tpu.memory_space<hbm>>) dst(%arg20 : memref<80xi32, #tpu.memory_space<vmem>>)
      %dma_start3A_48 = arith.constant 0 : i32
      %dma_start3A_49 = arith.constant 0 : i32
      %dma_start3A_50 = arith.constant 0 : i32
      %dma_start3A_51 = tpu.memref_slice %arg4[%dma_start3A_49, %dma_start3A_50] : memref<10000x128xf32, #tpu.memory_space<hbm>> -> memref<10000x128xf32, #tpu.memory_space<hbm>>
      %dma_start3A_52 = tpu.memref_slice %arg13[%dma_start3A_48] : memref<4x!tpu.dma_semaphore, #tpu.memory_space<semaphore_mem>> -> memref<1x!tpu.dma_semaphore, #tpu.memory_space<semaphore_mem>>
      %dma_start3A_53 = tpu.memref_squeeze %dma_start3A_52 : memref<1x!tpu.dma_semaphore, #tpu.memory_space<semaphore_mem>> -> memref<!tpu.dma_semaphore, #tpu.memory_space<semaphore_mem>>
      tpu.enqueue_indirect_dma source(%dma_start3A_51 : memref<10000x128xf32, #tpu.memory_space<hbm>>) target(%arg16 : memref<80x128xf32, #tpu.memory_space<vmem>>) offsets(%arg20 : memref<80xi32, #tpu.memory_space<vmem>>) semaphore(%dma_start3A_53 : memref<!tpu.dma_semaphore, #tpu.memory_space<semaphore_mem>>)
      %lt3A = arith.constant 15 : i32
      %lt3A_54 = arith.cmpi slt, %arg1, %lt3A : i32
      %convert_element_type3A_55 = arith.extui %lt3A_54 : i1 to i32
      %cond3A_56 = arith.constant 0 : i32
      %cond3A_57 = arith.cmpi ne, %convert_element_type3A_55, %cond3A_56 : i32
      scf.if %cond3A_57 {
        %mul3A_110 = arith.constant 624 : i32
        %mul3A_111 = arith.muli %arg1, %mul3A_110 : i32
        %mul3A_112 = arith.constant 624 : i32
        %mul3A_113 = arith.muli %arg1, %mul3A_112 : i32
        "tpu.region"() ({
          %run_scoped3A = tpu.sem_alloc : memref<!tpu.dma_semaphore, #tpu.memory_space<semaphore_mem>>
          %dma_start3A_114 = arith.constant 0 : i32
          %dma_start3A_115 = tpu.memref_slice %arg8[%mul3A_113, %dma_start3A_114] : memref<10000x128xf32, #tpu.memory_space<vmem_shared>> -> memref<624x128xf32, #tpu.memory_space<vmem_shared>>
          %dma_start3A_116 = arith.constant 0 : i32
          %dma_start3A_117 = tpu.memref_slice %arg4[%mul3A_111, %dma_start3A_116] : memref<10000x128xf32, #tpu.memory_space<hbm>> -> memref<624x128xf32, #tpu.memory_space<hbm>>
          tpu.enqueue_dma source(%dma_start3A_117 : memref<624x128xf32, #tpu.memory_space<hbm>>) target(%dma_start3A_115 : memref<624x128xf32, #tpu.memory_space<vmem_shared>>) target_semaphore(%run_scoped3A : memref<!tpu.dma_semaphore, #tpu.memory_space<semaphore_mem>>)
          %dma_wait3A_118 = arith.constant 0 : i32
          %dma_wait3A_119 = tpu.memref_slice %arg8[%mul3A_113, %dma_wait3A_118] : memref<10000x128xf32, #tpu.memory_space<vmem_shared>> -> memref<624x128xf32, #tpu.memory_space<vmem_shared>>
          %dma_wait3A_120 = arith.constant 0 : i32
          %dma_wait3A_121 = tpu.memref_slice %arg4[%mul3A_111, %dma_wait3A_120] : memref<10000x128xf32, #tpu.memory_space<hbm>> -> memref<624x128xf32, #tpu.memory_space<hbm>>
          tpu.wait_dma2 semaphore(%run_scoped3A : memref<!tpu.dma_semaphore, #tpu.memory_space<semaphore_mem>>) src(%dma_wait3A_121 : memref<624x128xf32, #tpu.memory_space<hbm>>) dst(%dma_wait3A_119 : memref<624x128xf32, #tpu.memory_space<vmem_shared>>)
          tpu.yield
        }) : () -> ()
      } else {
      }
      %eq3A_58 = arith.constant 15 : i32
      %eq3A_59 = arith.cmpi eq, %arg1, %eq3A_58 : i32
      %convert_element_type3A_60 = arith.extui %eq3A_59 : i1 to i32
      %cond3A_61 = arith.constant 0 : i32
      %cond3A_62 = arith.cmpi ne, %convert_element_type3A_60, %cond3A_61 : i32
      scf.if %cond3A_62 {
        "tpu.region"() ({
          %run_scoped3A = tpu.sem_alloc : memref<!tpu.dma_semaphore, #tpu.memory_space<semaphore_mem>>
          %dma_start3A_110 = arith.constant 9360 : i32
          %dma_start3A_111 = arith.constant 0 : i32
          %dma_start3A_112 = tpu.memref_slice %arg8[%dma_start3A_110, %dma_start3A_111] : memref<10000x128xf32, #tpu.memory_space<vmem_shared>> -> memref<640x128xf32, #tpu.memory_space<vmem_shared>>
          %dma_start3A_113 = arith.constant 9360 : i32
          %dma_start3A_114 = arith.constant 0 : i32
          %dma_start3A_115 = tpu.memref_slice %arg4[%dma_start3A_113, %dma_start3A_114] : memref<10000x128xf32, #tpu.memory_space<hbm>> -> memref<640x128xf32, #tpu.memory_space<hbm>>
          tpu.enqueue_dma source(%dma_start3A_115 : memref<640x128xf32, #tpu.memory_space<hbm>>) target(%dma_start3A_112 : memref<640x128xf32, #tpu.memory_space<vmem_shared>>) target_semaphore(%run_scoped3A : memref<!tpu.dma_semaphore, #tpu.memory_space<semaphore_mem>>)
          %dma_wait3A_116 = arith.constant 9360 : i32
          %dma_wait3A_117 = arith.constant 0 : i32
          %dma_wait3A_118 = tpu.memref_slice %arg8[%dma_wait3A_116, %dma_wait3A_117] : memref<10000x128xf32, #tpu.memory_space<vmem_shared>> -> memref<640x128xf32, #tpu.memory_space<vmem_shared>>
          %dma_wait3A_119 = arith.constant 9360 : i32
          %dma_wait3A_120 = arith.constant 0 : i32
          %dma_wait3A_121 = tpu.memref_slice %arg4[%dma_wait3A_119, %dma_wait3A_120] : memref<10000x128xf32, #tpu.memory_space<hbm>> -> memref<640x128xf32, #tpu.memory_space<hbm>>
          tpu.wait_dma2 semaphore(%run_scoped3A : memref<!tpu.dma_semaphore, #tpu.memory_space<semaphore_mem>>) src(%dma_wait3A_121 : memref<640x128xf32, #tpu.memory_space<hbm>>) dst(%dma_wait3A_118 : memref<640x128xf32, #tpu.memory_space<vmem_shared>>)
          tpu.yield
        }) : () -> ()
      } else {
      }
      %barrier3A_63 = arith.constant 0 : index
      tpu.barrier barrier_id(%barrier3A_63)
      %scan3A = arith.constant 0 : i32
      %scan3A_64 = arith.constant 0 : i32
      %scan3A_65 = arith.constant 31 : i32
      %scan3A_66 = arith.addi %scan3A_64, %scan3A_65 : i32
      %scan3A_67 = arith.constant 1 : i32
      scf.for %scan3A_110 = %scan3A_64 to %scan3A_66 step %scan3A_67  : i32 {
        %mul3A_111 = arith.constant 4 : i32
        %mul3A_112 = arith.muli %scan3A_110, %mul3A_111 : i32
        %add3A_113 = arith.constant 0 : i32
        %add3A_114 = arith.addi %mul3A_112, %add3A_113 : i32
        %add3A_115 = arith.constant 2 : i32
        %add3A_116 = arith.addi %add3A_114, %add3A_115 : i32
        %lt3A_117 = arith.constant 125 : i32
        %lt3A_118 = arith.cmpi slt, %add3A_116, %lt3A_117 : i32
        %convert_element_type3A_119 = arith.extui %lt3A_118 : i1 to i32
        %cond3A_120 = arith.constant 0 : i32
        %cond3A_121 = arith.cmpi ne, %convert_element_type3A_119, %cond3A_120 : i32
        scf.if %cond3A_121 {
          %add3A_261 = arith.constant 2 : i32
          %add3A_262 = arith.addi %add3A_114, %add3A_261 : i32
          %ge3A = arith.constant 4 : i32
          %ge3A_263 = arith.cmpi sge, %add3A_262, %ge3A : i32
          %convert_element_type3A_264 = arith.extui %ge3A_263 : i1 to i32
          %cond3A_265 = arith.constant 0 : i32
          %cond3A_266 = arith.cmpi ne, %convert_element_type3A_264, %cond3A_265 : i32
          scf.if %cond3A_266 {
            %dma_wait3A_283 = arith.constant 2 : i32
            %dma_wait3A_284 = arith.constant 0 : i32
            %dma_wait3A_285 = arith.constant 0 : i32
            %dma_wait3A_286 = tpu.memref_slice %arg8[%dma_wait3A_284, %dma_wait3A_285] : memref<10000x128xf32, #tpu.memory_space<vmem_shared>> -> memref<10000x128xf32, #tpu.memory_space<vmem_shared>>
            %dma_wait3A_287 = tpu.memref_slice %arg24[%dma_wait3A_283] : memref<4x!tpu.dma_semaphore, #tpu.memory_space<semaphore_mem>> -> memref<1x!tpu.dma_semaphore, #tpu.memory_space<semaphore_mem>>
            %dma_wait3A_288 = tpu.memref_squeeze %dma_wait3A_287 : memref<1x!tpu.dma_semaphore, #tpu.memory_space<semaphore_mem>> -> memref<!tpu.dma_semaphore, #tpu.memory_space<semaphore_mem>>
            tpu.wait_indirect_dma semaphore(%dma_wait3A_288 : memref<!tpu.dma_semaphore, #tpu.memory_space<semaphore_mem>>) src(%arg18 : memref<80x128xf32, #tpu.memory_space<vmem>>) dst(%dma_wait3A_286 : memref<10000x128xf32, #tpu.memory_space<vmem_shared>>)
          } else {
          }
          %mul3A_267 = arith.constant 80 : i32
          %mul3A_268 = arith.muli %add3A_262, %mul3A_267 : i32
          %add3A_269 = arith.addi %mul3A_0, %mul3A_268 : i32
          %dma_start3A_270 = arith.constant 2 : i32
          %dma_start3A_271 = tpu.memref_slice %arg2[%add3A_269] : memref<160000xi32, #tpu.memory_space<hbm>> -> memref<80xi32, #tpu.memory_space<hbm>>
          %dma_start3A_272 = tpu.memref_slice %arg14[%dma_start3A_270] : memref<4x!tpu.dma_semaphore, #tpu.memory_space<semaphore_mem>> -> memref<1x!tpu.dma_semaphore, #tpu.memory_space<semaphore_mem>>
          %dma_start3A_273 = tpu.memref_squeeze %dma_start3A_272 : memref<1x!tpu.dma_semaphore, #tpu.memory_space<semaphore_mem>> -> memref<!tpu.dma_semaphore, #tpu.memory_space<semaphore_mem>>
          %dma_start3A_274 = tpu.memref_slice %arg2[%add3A_269] : memref<160000xi32, #tpu.memory_space<hbm>> -> memref<80xi32, #tpu.memory_space<hbm>>
          tpu.enqueue_dma source(%dma_start3A_274 : memref<80xi32, #tpu.memory_space<hbm>>) target(%arg22 : memref<80xi32, #tpu.memory_space<vmem>>) target_semaphore(%dma_start3A_273 : memref<!tpu.dma_semaphore, #tpu.memory_space<semaphore_mem>>)
          %mul3A_275 = arith.constant 80 : i32
          %mul3A_276 = arith.muli %add3A_262, %mul3A_275 : i32
          %add3A_277 = arith.addi %mul3A_0, %mul3A_276 : i32
          %dma_start3A_278 = arith.constant 2 : i32
          %dma_start3A_279 = tpu.memref_slice %arg3[%add3A_277] : memref<160000xi32, #tpu.memory_space<hbm>> -> memref<80xi32, #tpu.memory_space<hbm>>
          %dma_start3A_280 = tpu.memref_slice %arg15[%dma_start3A_278] : memref<4x!tpu.dma_semaphore, #tpu.memory_space<semaphore_mem>> -> memref<1x!tpu.dma_semaphore, #tpu.memory_space<semaphore_mem>>
          %dma_start3A_281 = tpu.memref_squeeze %dma_start3A_280 : memref<1x!tpu.dma_semaphore, #tpu.memory_space<semaphore_mem>> -> memref<!tpu.dma_semaphore, #tpu.memory_space<semaphore_mem>>
          %dma_start3A_282 = tpu.memref_slice %arg3[%add3A_277] : memref<160000xi32, #tpu.memory_space<hbm>> -> memref<80xi32, #tpu.memory_space<hbm>>
          tpu.enqueue_dma source(%dma_start3A_282 : memref<80xi32, #tpu.memory_space<hbm>>) target(%arg11 : memref<80xi32, #tpu.memory_space<vmem>>) target_semaphore(%dma_start3A_281 : memref<!tpu.dma_semaphore, #tpu.memory_space<semaphore_mem>>)
        } else {
        }
        %dma_wait3A_122 = arith.constant 1 : i32
        %dma_wait3A_123 = tpu.memref_slice %arg2[%mul3A_0] : memref<160000xi32, #tpu.memory_space<hbm>> -> memref<80xi32, #tpu.memory_space<hbm>>
        %dma_wait3A_124 = tpu.memref_slice %arg14[%dma_wait3A_122] : memref<4x!tpu.dma_semaphore, #tpu.memory_space<semaphore_mem>> -> memref<1x!tpu.dma_semaphore, #tpu.memory_space<semaphore_mem>>
        %dma_wait3A_125 = tpu.memref_squeeze %dma_wait3A_124 : memref<1x!tpu.dma_semaphore, #tpu.memory_space<semaphore_mem>> -> memref<!tpu.dma_semaphore, #tpu.memory_space<semaphore_mem>>
        %dma_wait3A_126 = tpu.memref_slice %arg2[%mul3A_0] : memref<160000xi32, #tpu.memory_space<hbm>> -> memref<80xi32, #tpu.memory_space<hbm>>
        tpu.wait_dma2 semaphore(%dma_wait3A_125 : memref<!tpu.dma_semaphore, #tpu.memory_space<semaphore_mem>>) src(%dma_wait3A_126 : memref<80xi32, #tpu.memory_space<hbm>>) dst(%arg21 : memref<80xi32, #tpu.memory_space<vmem>>)
        %dma_start3A_127 = arith.constant 1 : i32
        %dma_start3A_128 = arith.constant 0 : i32
        %dma_start3A_129 = arith.constant 0 : i32
        %dma_start3A_130 = tpu.memref_slice %arg4[%dma_start3A_128, %dma_start3A_129] : memref<10000x128xf32, #tpu.memory_space<hbm>> -> memref<10000x128xf32, #tpu.memory_space<hbm>>
        %dma_start3A_131 = tpu.memref_slice %arg13[%dma_start3A_127] : memref<4x!tpu.dma_semaphore, #tpu.memory_space<semaphore_mem>> -> memref<1x!tpu.dma_semaphore, #tpu.memory_space<semaphore_mem>>
        %dma_start3A_132 = tpu.memref_squeeze %dma_start3A_131 : memref<1x!tpu.dma_semaphore, #tpu.memory_space<semaphore_mem>> -> memref<!tpu.dma_semaphore, #tpu.memory_space<semaphore_mem>>
        tpu.enqueue_indirect_dma source(%dma_start3A_130 : memref<10000x128xf32, #tpu.memory_space<hbm>>) target(%arg17 : memref<80x128xf32, #tpu.memory_space<vmem>>) offsets(%arg21 : memref<80xi32, #tpu.memory_space<vmem>>) semaphore(%dma_start3A_132 : memref<!tpu.dma_semaphore, #tpu.memory_space<semaphore_mem>>)
        %dma_wait3A_133 = arith.constant 0 : i32
        %dma_wait3A_134 = tpu.memref_slice %arg3[%mul3A_0] : memref<160000xi32, #tpu.memory_space<hbm>> -> memref<80xi32, #tpu.memory_space<hbm>>
        %dma_wait3A_135 = tpu.memref_slice %arg15[%dma_wait3A_133] : memref<4x!tpu.dma_semaphore, #tpu.memory_space<semaphore_mem>> -> memref<1x!tpu.dma_semaphore, #tpu.memory_space<semaphore_mem>>
        %dma_wait3A_136 = tpu.memref_squeeze %dma_wait3A_135 : memref<1x!tpu.dma_semaphore, #tpu.memory_space<semaphore_mem>> -> memref<!tpu.dma_semaphore, #tpu.memory_space<semaphore_mem>>
        %dma_wait3A_137 = tpu.memref_slice %arg3[%mul3A_0] : memref<160000xi32, #tpu.memory_space<hbm>> -> memref<80xi32, #tpu.memory_space<hbm>>
        tpu.wait_dma2 semaphore(%dma_wait3A_136 : memref<!tpu.dma_semaphore, #tpu.memory_space<semaphore_mem>>) src(%dma_wait3A_137 : memref<80xi32, #tpu.memory_space<hbm>>) dst(%arg9 : memref<80xi32, #tpu.memory_space<vmem>>)
        %dma_wait3A_138 = arith.constant 0 : i32
        %dma_wait3A_139 = arith.constant 0 : i32
        %dma_wait3A_140 = arith.constant 0 : i32
        %dma_wait3A_141 = tpu.memref_slice %arg4[%dma_wait3A_139, %dma_wait3A_140] : memref<10000x128xf32, #tpu.memory_space<hbm>> -> memref<10000x128xf32, #tpu.memory_space<hbm>>
        %dma_wait3A_142 = tpu.memref_slice %arg13[%dma_wait3A_138] : memref<4x!tpu.dma_semaphore, #tpu.memory_space<semaphore_mem>> -> memref<1x!tpu.dma_semaphore, #tpu.memory_space<semaphore_mem>>
        %dma_wait3A_143 = tpu.memref_squeeze %dma_wait3A_142 : memref<1x!tpu.dma_semaphore, #tpu.memory_space<semaphore_mem>> -> memref<!tpu.dma_semaphore, #tpu.memory_space<semaphore_mem>>
        tpu.wait_indirect_dma semaphore(%dma_wait3A_143 : memref<!tpu.dma_semaphore, #tpu.memory_space<semaphore_mem>>) src(%dma_wait3A_141 : memref<10000x128xf32, #tpu.memory_space<hbm>>) dst(%arg16 : memref<80x128xf32, #tpu.memory_space<vmem>>)
        %dma_start3A_144 = arith.constant 0 : i32
        %dma_start3A_145 = arith.constant 0 : i32
        %dma_start3A_146 = arith.constant 0 : i32
        %dma_start3A_147 = tpu.memref_slice %arg8[%dma_start3A_145, %dma_start3A_146] : memref<10000x128xf32, #tpu.memory_space<vmem_shared>> -> memref<10000x128xf32, #tpu.memory_space<vmem_shared>>
        %dma_start3A_148 = tpu.memref_slice %arg24[%dma_start3A_144] : memref<4x!tpu.dma_semaphore, #tpu.memory_space<semaphore_mem>> -> memref<1x!tpu.dma_semaphore, #tpu.memory_space<semaphore_mem>>
        %dma_start3A_149 = tpu.memref_squeeze %dma_start3A_148 : memref<1x!tpu.dma_semaphore, #tpu.memory_space<semaphore_mem>> -> memref<!tpu.dma_semaphore, #tpu.memory_space<semaphore_mem>>
        tpu.enqueue_indirect_dma source(%arg16 : memref<80x128xf32, #tpu.memory_space<vmem>>) target(%dma_start3A_147 : memref<10000x128xf32, #tpu.memory_space<vmem_shared>>) offsets(%arg9 : memref<80xi32, #tpu.memory_space<vmem>>) semaphore(%dma_start3A_149 : memref<!tpu.dma_semaphore, #tpu.memory_space<semaphore_mem>>) {add = true}
        %add3A_150 = arith.constant 1 : i32
        %add3A_151 = arith.addi %mul3A_112, %add3A_150 : i32
        %add3A_152 = arith.constant 2 : i32
        %add3A_153 = arith.addi %add3A_151, %add3A_152 : i32
        %lt3A_154 = arith.constant 125 : i32
        %lt3A_155 = arith.cmpi slt, %add3A_153, %lt3A_154 : i32
        %convert_element_type3A_156 = arith.extui %lt3A_155 : i1 to i32
        %cond3A_157 = arith.constant 0 : i32
        %cond3A_158 = arith.cmpi ne, %convert_element_type3A_156, %cond3A_157 : i32
        scf.if %cond3A_158 {
          %add3A_261 = arith.constant 2 : i32
          %add3A_262 = arith.addi %add3A_151, %add3A_261 : i32
          %ge3A = arith.constant 4 : i32
          %ge3A_263 = arith.cmpi sge, %add3A_262, %ge3A : i32
          %convert_element_type3A_264 = arith.extui %ge3A_263 : i1 to i32
          %cond3A_265 = arith.constant 0 : i32
          %cond3A_266 = arith.cmpi ne, %convert_element_type3A_264, %cond3A_265 : i32
          scf.if %cond3A_266 {
            %dma_wait3A_283 = arith.constant 3 : i32
            %dma_wait3A_284 = arith.constant 0 : i32
            %dma_wait3A_285 = arith.constant 0 : i32
            %dma_wait3A_286 = tpu.memref_slice %arg8[%dma_wait3A_284, %dma_wait3A_285] : memref<10000x128xf32, #tpu.memory_space<vmem_shared>> -> memref<10000x128xf32, #tpu.memory_space<vmem_shared>>
            %dma_wait3A_287 = tpu.memref_slice %arg24[%dma_wait3A_283] : memref<4x!tpu.dma_semaphore, #tpu.memory_space<semaphore_mem>> -> memref<1x!tpu.dma_semaphore, #tpu.memory_space<semaphore_mem>>
            %dma_wait3A_288 = tpu.memref_squeeze %dma_wait3A_287 : memref<1x!tpu.dma_semaphore, #tpu.memory_space<semaphore_mem>> -> memref<!tpu.dma_semaphore, #tpu.memory_space<semaphore_mem>>
            tpu.wait_indirect_dma semaphore(%dma_wait3A_288 : memref<!tpu.dma_semaphore, #tpu.memory_space<semaphore_mem>>) src(%arg19 : memref<80x128xf32, #tpu.memory_space<vmem>>) dst(%dma_wait3A_286 : memref<10000x128xf32, #tpu.memory_space<vmem_shared>>)
          } else {
          }
          %mul3A_267 = arith.constant 80 : i32
          %mul3A_268 = arith.muli %add3A_262, %mul3A_267 : i32
          %add3A_269 = arith.addi %mul3A_0, %mul3A_268 : i32
          %dma_start3A_270 = arith.constant 3 : i32
          %dma_start3A_271 = tpu.memref_slice %arg2[%add3A_269] : memref<160000xi32, #tpu.memory_space<hbm>> -> memref<80xi32, #tpu.memory_space<hbm>>
          %dma_start3A_272 = tpu.memref_slice %arg14[%dma_start3A_270] : memref<4x!tpu.dma_semaphore, #tpu.memory_space<semaphore_mem>> -> memref<1x!tpu.dma_semaphore, #tpu.memory_space<semaphore_mem>>
          %dma_start3A_273 = tpu.memref_squeeze %dma_start3A_272 : memref<1x!tpu.dma_semaphore, #tpu.memory_space<semaphore_mem>> -> memref<!tpu.dma_semaphore, #tpu.memory_space<semaphore_mem>>
          %dma_start3A_274 = tpu.memref_slice %arg2[%add3A_269] : memref<160000xi32, #tpu.memory_space<hbm>> -> memref<80xi32, #tpu.memory_space<hbm>>
          tpu.enqueue_dma source(%dma_start3A_274 : memref<80xi32, #tpu.memory_space<hbm>>) target(%arg23 : memref<80xi32, #tpu.memory_space<vmem>>) target_semaphore(%dma_start3A_273 : memref<!tpu.dma_semaphore, #tpu.memory_space<semaphore_mem>>)
          %mul3A_275 = arith.constant 80 : i32
          %mul3A_276 = arith.muli %add3A_262, %mul3A_275 : i32
          %add3A_277 = arith.addi %mul3A_0, %mul3A_276 : i32
          %dma_start3A_278 = arith.constant 3 : i32
          %dma_start3A_279 = tpu.memref_slice %arg3[%add3A_277] : memref<160000xi32, #tpu.memory_space<hbm>> -> memref<80xi32, #tpu.memory_space<hbm>>
          %dma_start3A_280 = tpu.memref_slice %arg15[%dma_start3A_278] : memref<4x!tpu.dma_semaphore, #tpu.memory_space<semaphore_mem>> -> memref<1x!tpu.dma_semaphore, #tpu.memory_space<semaphore_mem>>
          %dma_start3A_281 = tpu.memref_squeeze %dma_start3A_280 : memref<1x!tpu.dma_semaphore, #tpu.memory_space<semaphore_mem>> -> memref<!tpu.dma_semaphore, #tpu.memory_space<semaphore_mem>>
          %dma_start3A_282 = tpu.memref_slice %arg3[%add3A_277] : memref<160000xi32, #tpu.memory_space<hbm>> -> memref<80xi32, #tpu.memory_space<hbm>>
          tpu.enqueue_dma source(%dma_start3A_282 : memref<80xi32, #tpu.memory_space<hbm>>) target(%arg12 : memref<80xi32, #tpu.memory_space<vmem>>) target_semaphore(%dma_start3A_281 : memref<!tpu.dma_semaphore, #tpu.memory_space<semaphore_mem>>)
        } else {
        }
        %dma_wait3A_159 = arith.constant 2 : i32
        %dma_wait3A_160 = tpu.memref_slice %arg2[%mul3A_0] : memref<160000xi32, #tpu.memory_space<hbm>> -> memref<80xi32, #tpu.memory_space<hbm>>
        %dma_wait3A_161 = tpu.memref_slice %arg14[%dma_wait3A_159] : memref<4x!tpu.dma_semaphore, #tpu.memory_space<semaphore_mem>> -> memref<1x!tpu.dma_semaphore, #tpu.memory_space<semaphore_mem>>
        %dma_wait3A_162 = tpu.memref_squeeze %dma_wait3A_161 : memref<1x!tpu.dma_semaphore, #tpu.memory_space<semaphore_mem>> -> memref<!tpu.dma_semaphore, #tpu.memory_space<semaphore_mem>>
        %dma_wait3A_163 = tpu.memref_slice %arg2[%mul3A_0] : memref<160000xi32, #tpu.memory_space<hbm>> -> memref<80xi32, #tpu.memory_space<hbm>>
        tpu.wait_dma2 semaphore(%dma_wait3A_162 : memref<!tpu.dma_semaphore, #tpu.memory_space<semaphore_mem>>) src(%dma_wait3A_163 : memref<80xi32, #tpu.memory_space<hbm>>) dst(%arg22 : memref<80xi32, #tpu.memory_space<vmem>>)
        %dma_start3A_164 = arith.constant 2 : i32
        %dma_start3A_165 = arith.constant 0 : i32
        %dma_start3A_166 = arith.constant 0 : i32
        %dma_start3A_167 = tpu.memref_slice %arg4[%dma_start3A_165, %dma_start3A_166] : memref<10000x128xf32, #tpu.memory_space<hbm>> -> memref<10000x128xf32, #tpu.memory_space<hbm>>
        %dma_start3A_168 = tpu.memref_slice %arg13[%dma_start3A_164] : memref<4x!tpu.dma_semaphore, #tpu.memory_space<semaphore_mem>> -> memref<1x!tpu.dma_semaphore, #tpu.memory_space<semaphore_mem>>
        %dma_start3A_169 = tpu.memref_squeeze %dma_start3A_168 : memref<1x!tpu.dma_semaphore, #tpu.memory_space<semaphore_mem>> -> memref<!tpu.dma_semaphore, #tpu.memory_space<semaphore_mem>>
        tpu.enqueue_indirect_dma source(%dma_start3A_167 : memref<10000x128xf32, #tpu.memory_space<hbm>>) target(%arg18 : memref<80x128xf32, #tpu.memory_space<vmem>>) offsets(%arg22 : memref<80xi32, #tpu.memory_space<vmem>>) semaphore(%dma_start3A_169 : memref<!tpu.dma_semaphore, #tpu.memory_space<semaphore_mem>>)
        %dma_wait3A_170 = arith.constant 1 : i32
        %dma_wait3A_171 = tpu.memref_slice %arg3[%mul3A_0] : memref<160000xi32, #tpu.memory_space<hbm>> -> memref<80xi32, #tpu.memory_space<hbm>>
        %dma_wait3A_172 = tpu.memref_slice %arg15[%dma_wait3A_170] : memref<4x!tpu.dma_semaphore, #tpu.memory_space<semaphore_mem>> -> memref<1x!tpu.dma_semaphore, #tpu.memory_space<semaphore_mem>>
        %dma_wait3A_173 = tpu.memref_squeeze %dma_wait3A_172 : memref<1x!tpu.dma_semaphore, #tpu.memory_space<semaphore_mem>> -> memref<!tpu.dma_semaphore, #tpu.memory_space<semaphore_mem>>
        %dma_wait3A_174 = tpu.memref_slice %arg3[%mul3A_0] : memref<160000xi32, #tpu.memory_space<hbm>> -> memref<80xi32, #tpu.memory_space<hbm>>
        tpu.wait_dma2 semaphore(%dma_wait3A_173 : memref<!tpu.dma_semaphore, #tpu.memory_space<semaphore_mem>>) src(%dma_wait3A_174 : memref<80xi32, #tpu.memory_space<hbm>>) dst(%arg10 : memref<80xi32, #tpu.memory_space<vmem>>)
        %dma_wait3A_175 = arith.constant 1 : i32
        %dma_wait3A_176 = arith.constant 0 : i32
        %dma_wait3A_177 = arith.constant 0 : i32
        %dma_wait3A_178 = tpu.memref_slice %arg4[%dma_wait3A_176, %dma_wait3A_177] : memref<10000x128xf32, #tpu.memory_space<hbm>> -> memref<10000x128xf32, #tpu.memory_space<hbm>>
        %dma_wait3A_179 = tpu.memref_slice %arg13[%dma_wait3A_175] : memref<4x!tpu.dma_semaphore, #tpu.memory_space<semaphore_mem>> -> memref<1x!tpu.dma_semaphore, #tpu.memory_space<semaphore_mem>>
        %dma_wait3A_180 = tpu.memref_squeeze %dma_wait3A_179 : memref<1x!tpu.dma_semaphore, #tpu.memory_space<semaphore_mem>> -> memref<!tpu.dma_semaphore, #tpu.memory_space<semaphore_mem>>
        tpu.wait_indirect_dma semaphore(%dma_wait3A_180 : memref<!tpu.dma_semaphore, #tpu.memory_space<semaphore_mem>>) src(%dma_wait3A_178 : memref<10000x128xf32, #tpu.memory_space<hbm>>) dst(%arg17 : memref<80x128xf32, #tpu.memory_space<vmem>>)
        %dma_start3A_181 = arith.constant 1 : i32
        %dma_start3A_182 = arith.constant 0 : i32
        %dma_start3A_183 = arith.constant 0 : i32
        %dma_start3A_184 = tpu.memref_slice %arg8[%dma_start3A_182, %dma_start3A_183] : memref<10000x128xf32, #tpu.memory_space<vmem_shared>> -> memref<10000x128xf32, #tpu.memory_space<vmem_shared>>
        %dma_start3A_185 = tpu.memref_slice %arg24[%dma_start3A_181] : memref<4x!tpu.dma_semaphore, #tpu.memory_space<semaphore_mem>> -> memref<1x!tpu.dma_semaphore, #tpu.memory_space<semaphore_mem>>
        %dma_start3A_186 = tpu.memref_squeeze %dma_start3A_185 : memref<1x!tpu.dma_semaphore, #tpu.memory_space<semaphore_mem>> -> memref<!tpu.dma_semaphore, #tpu.memory_space<semaphore_mem>>
        tpu.enqueue_indirect_dma source(%arg17 : memref<80x128xf32, #tpu.memory_space<vmem>>) target(%dma_start3A_184 : memref<10000x128xf32, #tpu.memory_space<vmem_shared>>) offsets(%arg10 : memref<80xi32, #tpu.memory_space<vmem>>) semaphore(%dma_start3A_186 : memref<!tpu.dma_semaphore, #tpu.memory_space<semaphore_mem>>) {add = true}
        %add3A_187 = arith.constant 2 : i32
        %add3A_188 = arith.addi %mul3A_112, %add3A_187 : i32
        %add3A_189 = arith.constant 2 : i32
        %add3A_190 = arith.addi %add3A_188, %add3A_189 : i32
        %lt3A_191 = arith.constant 125 : i32
        %lt3A_192 = arith.cmpi slt, %add3A_190, %lt3A_191 : i32
        %convert_element_type3A_193 = arith.extui %lt3A_192 : i1 to i32
        %cond3A_194 = arith.constant 0 : i32
        %cond3A_195 = arith.cmpi ne, %convert_element_type3A_193, %cond3A_194 : i32
        scf.if %cond3A_195 {
          %add3A_261 = arith.constant 2 : i32
          %add3A_262 = arith.addi %add3A_188, %add3A_261 : i32
          %ge3A = arith.constant 4 : i32
          %ge3A_263 = arith.cmpi sge, %add3A_262, %ge3A : i32
          %convert_element_type3A_264 = arith.extui %ge3A_263 : i1 to i32
          %cond3A_265 = arith.constant 0 : i32
          %cond3A_266 = arith.cmpi ne, %convert_element_type3A_264, %cond3A_265 : i32
          scf.if %cond3A_266 {
            %dma_wait3A_283 = arith.constant 0 : i32
            %dma_wait3A_284 = arith.constant 0 : i32
            %dma_wait3A_285 = arith.constant 0 : i32
            %dma_wait3A_286 = tpu.memref_slice %arg8[%dma_wait3A_284, %dma_wait3A_285] : memref<10000x128xf32, #tpu.memory_space<vmem_shared>> -> memref<10000x128xf32, #tpu.memory_space<vmem_shared>>
            %dma_wait3A_287 = tpu.memref_slice %arg24[%dma_wait3A_283] : memref<4x!tpu.dma_semaphore, #tpu.memory_space<semaphore_mem>> -> memref<1x!tpu.dma_semaphore, #tpu.memory_space<semaphore_mem>>
            %dma_wait3A_288 = tpu.memref_squeeze %dma_wait3A_287 : memref<1x!tpu.dma_semaphore, #tpu.memory_space<semaphore_mem>> -> memref<!tpu.dma_semaphore, #tpu.memory_space<semaphore_mem>>
            tpu.wait_indirect_dma semaphore(%dma_wait3A_288 : memref<!tpu.dma_semaphore, #tpu.memory_space<semaphore_mem>>) src(%arg16 : memref<80x128xf32, #tpu.memory_space<vmem>>) dst(%dma_wait3A_286 : memref<10000x128xf32, #tpu.memory_space<vmem_shared>>)
          } else {
          }
          %mul3A_267 = arith.constant 80 : i32
          %mul3A_268 = arith.muli %add3A_262, %mul3A_267 : i32
          %add3A_269 = arith.addi %mul3A_0, %mul3A_268 : i32
          %dma_start3A_270 = arith.constant 0 : i32
          %dma_start3A_271 = tpu.memref_slice %arg2[%add3A_269] : memref<160000xi32, #tpu.memory_space<hbm>> -> memref<80xi32, #tpu.memory_space<hbm>>
          %dma_start3A_272 = tpu.memref_slice %arg14[%dma_start3A_270] : memref<4x!tpu.dma_semaphore, #tpu.memory_space<semaphore_mem>> -> memref<1x!tpu.dma_semaphore, #tpu.memory_space<semaphore_mem>>
          %dma_start3A_273 = tpu.memref_squeeze %dma_start3A_272 : memref<1x!tpu.dma_semaphore, #tpu.memory_space<semaphore_mem>> -> memref<!tpu.dma_semaphore, #tpu.memory_space<semaphore_mem>>
          %dma_start3A_274 = tpu.memref_slice %arg2[%add3A_269] : memref<160000xi32, #tpu.memory_space<hbm>> -> memref<80xi32, #tpu.memory_space<hbm>>
          tpu.enqueue_dma source(%dma_start3A_274 : memref<80xi32, #tpu.memory_space<hbm>>) target(%arg20 : memref<80xi32, #tpu.memory_space<vmem>>) target_semaphore(%dma_start3A_273 : memref<!tpu.dma_semaphore, #tpu.memory_space<semaphore_mem>>)
          %mul3A_275 = arith.constant 80 : i32
          %mul3A_276 = arith.muli %add3A_262, %mul3A_275 : i32
          %add3A_277 = arith.addi %mul3A_0, %mul3A_276 : i32
          %dma_start3A_278 = arith.constant 0 : i32
          %dma_start3A_279 = tpu.memref_slice %arg3[%add3A_277] : memref<160000xi32, #tpu.memory_space<hbm>> -> memref<80xi32, #tpu.memory_space<hbm>>
          %dma_start3A_280 = tpu.memref_slice %arg15[%dma_start3A_278] : memref<4x!tpu.dma_semaphore, #tpu.memory_space<semaphore_mem>> -> memref<1x!tpu.dma_semaphore, #tpu.memory_space<semaphore_mem>>
          %dma_start3A_281 = tpu.memref_squeeze %dma_start3A_280 : memref<1x!tpu.dma_semaphore, #tpu.memory_space<semaphore_mem>> -> memref<!tpu.dma_semaphore, #tpu.memory_space<semaphore_mem>>
          %dma_start3A_282 = tpu.memref_slice %arg3[%add3A_277] : memref<160000xi32, #tpu.memory_space<hbm>> -> memref<80xi32, #tpu.memory_space<hbm>>
          tpu.enqueue_dma source(%dma_start3A_282 : memref<80xi32, #tpu.memory_space<hbm>>) target(%arg9 : memref<80xi32, #tpu.memory_space<vmem>>) target_semaphore(%dma_start3A_281 : memref<!tpu.dma_semaphore, #tpu.memory_space<semaphore_mem>>)
        } else {
        }
        %dma_wait3A_196 = arith.constant 3 : i32
        %dma_wait3A_197 = tpu.memref_slice %arg2[%mul3A_0] : memref<160000xi32, #tpu.memory_space<hbm>> -> memref<80xi32, #tpu.memory_space<hbm>>
        %dma_wait3A_198 = tpu.memref_slice %arg14[%dma_wait3A_196] : memref<4x!tpu.dma_semaphore, #tpu.memory_space<semaphore_mem>> -> memref<1x!tpu.dma_semaphore, #tpu.memory_space<semaphore_mem>>
        %dma_wait3A_199 = tpu.memref_squeeze %dma_wait3A_198 : memref<1x!tpu.dma_semaphore, #tpu.memory_space<semaphore_mem>> -> memref<!tpu.dma_semaphore, #tpu.memory_space<semaphore_mem>>
        %dma_wait3A_200 = tpu.memref_slice %arg2[%mul3A_0] : memref<160000xi32, #tpu.memory_space<hbm>> -> memref<80xi32, #tpu.memory_space<hbm>>
        tpu.wait_dma2 semaphore(%dma_wait3A_199 : memref<!tpu.dma_semaphore, #tpu.memory_space<semaphore_mem>>) src(%dma_wait3A_200 : memref<80xi32, #tpu.memory_space<hbm>>) dst(%arg23 : memref<80xi32, #tpu.memory_space<vmem>>)
        %dma_start3A_201 = arith.constant 3 : i32
        %dma_start3A_202 = arith.constant 0 : i32
        %dma_start3A_203 = arith.constant 0 : i32
        %dma_start3A_204 = tpu.memref_slice %arg4[%dma_start3A_202, %dma_start3A_203] : memref<10000x128xf32, #tpu.memory_space<hbm>> -> memref<10000x128xf32, #tpu.memory_space<hbm>>
        %dma_start3A_205 = tpu.memref_slice %arg13[%dma_start3A_201] : memref<4x!tpu.dma_semaphore, #tpu.memory_space<semaphore_mem>> -> memref<1x!tpu.dma_semaphore, #tpu.memory_space<semaphore_mem>>
        %dma_start3A_206 = tpu.memref_squeeze %dma_start3A_205 : memref<1x!tpu.dma_semaphore, #tpu.memory_space<semaphore_mem>> -> memref<!tpu.dma_semaphore, #tpu.memory_space<semaphore_mem>>
        tpu.enqueue_indirect_dma source(%dma_start3A_204 : memref<10000x128xf32, #tpu.memory_space<hbm>>) target(%arg19 : memref<80x128xf32, #tpu.memory_space<vmem>>) offsets(%arg23 : memref<80xi32, #tpu.memory_space<vmem>>) semaphore(%dma_start3A_206 : memref<!tpu.dma_semaphore, #tpu.memory_space<semaphore_mem>>)
        %dma_wait3A_207 = arith.constant 2 : i32
        %dma_wait3A_208 = tpu.memref_slice %arg3[%mul3A_0] : memref<160000xi32, #tpu.memory_space<hbm>> -> memref<80xi32, #tpu.memory_space<hbm>>
        %dma_wait3A_209 = tpu.memref_slice %arg15[%dma_wait3A_207] : memref<4x!tpu.dma_semaphore, #tpu.memory_space<semaphore_mem>> -> memref<1x!tpu.dma_semaphore, #tpu.memory_space<semaphore_mem>>
        %dma_wait3A_210 = tpu.memref_squeeze %dma_wait3A_209 : memref<1x!tpu.dma_semaphore, #tpu.memory_space<semaphore_mem>> -> memref<!tpu.dma_semaphore, #tpu.memory_space<semaphore_mem>>
        %dma_wait3A_211 = tpu.memref_slice %arg3[%mul3A_0] : memref<160000xi32, #tpu.memory_space<hbm>> -> memref<80xi32, #tpu.memory_space<hbm>>
        tpu.wait_dma2 semaphore(%dma_wait3A_210 : memref<!tpu.dma_semaphore, #tpu.memory_space<semaphore_mem>>) src(%dma_wait3A_211 : memref<80xi32, #tpu.memory_space<hbm>>) dst(%arg11 : memref<80xi32, #tpu.memory_space<vmem>>)
        %dma_wait3A_212 = arith.constant 2 : i32
        %dma_wait3A_213 = arith.constant 0 : i32
        %dma_wait3A_214 = arith.constant 0 : i32
        %dma_wait3A_215 = tpu.memref_slice %arg4[%dma_wait3A_213, %dma_wait3A_214] : memref<10000x128xf32, #tpu.memory_space<hbm>> -> memref<10000x128xf32, #tpu.memory_space<hbm>>
        %dma_wait3A_216 = tpu.memref_slice %arg13[%dma_wait3A_212] : memref<4x!tpu.dma_semaphore, #tpu.memory_space<semaphore_mem>> -> memref<1x!tpu.dma_semaphore, #tpu.memory_space<semaphore_mem>>
        %dma_wait3A_217 = tpu.memref_squeeze %dma_wait3A_216 : memref<1x!tpu.dma_semaphore, #tpu.memory_space<semaphore_mem>> -> memref<!tpu.dma_semaphore, #tpu.memory_space<semaphore_mem>>
        tpu.wait_indirect_dma semaphore(%dma_wait3A_217 : memref<!tpu.dma_semaphore, #tpu.memory_space<semaphore_mem>>) src(%dma_wait3A_215 : memref<10000x128xf32, #tpu.memory_space<hbm>>) dst(%arg18 : memref<80x128xf32, #tpu.memory_space<vmem>>)
        %dma_start3A_218 = arith.constant 2 : i32
        %dma_start3A_219 = arith.constant 0 : i32
        %dma_start3A_220 = arith.constant 0 : i32
        %dma_start3A_221 = tpu.memref_slice %arg8[%dma_start3A_219, %dma_start3A_220] : memref<10000x128xf32, #tpu.memory_space<vmem_shared>> -> memref<10000x128xf32, #tpu.memory_space<vmem_shared>>
        %dma_start3A_222 = tpu.memref_slice %arg24[%dma_start3A_218] : memref<4x!tpu.dma_semaphore, #tpu.memory_space<semaphore_mem>> -> memref<1x!tpu.dma_semaphore, #tpu.memory_space<semaphore_mem>>
        %dma_start3A_223 = tpu.memref_squeeze %dma_start3A_222 : memref<1x!tpu.dma_semaphore, #tpu.memory_space<semaphore_mem>> -> memref<!tpu.dma_semaphore, #tpu.memory_space<semaphore_mem>>
        tpu.enqueue_indirect_dma source(%arg18 : memref<80x128xf32, #tpu.memory_space<vmem>>) target(%dma_start3A_221 : memref<10000x128xf32, #tpu.memory_space<vmem_shared>>) offsets(%arg11 : memref<80xi32, #tpu.memory_space<vmem>>) semaphore(%dma_start3A_223 : memref<!tpu.dma_semaphore, #tpu.memory_space<semaphore_mem>>) {add = true}
        %add3A_224 = arith.constant 3 : i32
        %add3A_225 = arith.addi %mul3A_112, %add3A_224 : i32
        %add3A_226 = arith.constant 2 : i32
        %add3A_227 = arith.addi %add3A_225, %add3A_226 : i32
        %lt3A_228 = arith.constant 125 : i32
        %lt3A_229 = arith.cmpi slt, %add3A_227, %lt3A_228 : i32
        %convert_element_type3A_230 = arith.extui %lt3A_229 : i1 to i32
        %cond3A_231 = arith.constant 0 : i32
        %cond3A_232 = arith.cmpi ne, %convert_element_type3A_230, %cond3A_231 : i32
        scf.if %cond3A_232 {
          %add3A_261 = arith.constant 2 : i32
          %add3A_262 = arith.addi %add3A_225, %add3A_261 : i32
          %ge3A = arith.constant 4 : i32
          %ge3A_263 = arith.cmpi sge, %add3A_262, %ge3A : i32
          %convert_element_type3A_264 = arith.extui %ge3A_263 : i1 to i32
          %cond3A_265 = arith.constant 0 : i32
          %cond3A_266 = arith.cmpi ne, %convert_element_type3A_264, %cond3A_265 : i32
          scf.if %cond3A_266 {
            %dma_wait3A_283 = arith.constant 1 : i32
            %dma_wait3A_284 = arith.constant 0 : i32
            %dma_wait3A_285 = arith.constant 0 : i32
            %dma_wait3A_286 = tpu.memref_slice %arg8[%dma_wait3A_284, %dma_wait3A_285] : memref<10000x128xf32, #tpu.memory_space<vmem_shared>> -> memref<10000x128xf32, #tpu.memory_space<vmem_shared>>
            %dma_wait3A_287 = tpu.memref_slice %arg24[%dma_wait3A_283] : memref<4x!tpu.dma_semaphore, #tpu.memory_space<semaphore_mem>> -> memref<1x!tpu.dma_semaphore, #tpu.memory_space<semaphore_mem>>
            %dma_wait3A_288 = tpu.memref_squeeze %dma_wait3A_287 : memref<1x!tpu.dma_semaphore, #tpu.memory_space<semaphore_mem>> -> memref<!tpu.dma_semaphore, #tpu.memory_space<semaphore_mem>>
            tpu.wait_indirect_dma semaphore(%dma_wait3A_288 : memref<!tpu.dma_semaphore, #tpu.memory_space<semaphore_mem>>) src(%arg17 : memref<80x128xf32, #tpu.memory_space<vmem>>) dst(%dma_wait3A_286 : memref<10000x128xf32, #tpu.memory_space<vmem_shared>>)
          } else {
          }
          %mul3A_267 = arith.constant 80 : i32
          %mul3A_268 = arith.muli %add3A_262, %mul3A_267 : i32
          %add3A_269 = arith.addi %mul3A_0, %mul3A_268 : i32
          %dma_start3A_270 = arith.constant 1 : i32
          %dma_start3A_271 = tpu.memref_slice %arg2[%add3A_269] : memref<160000xi32, #tpu.memory_space<hbm>> -> memref<80xi32, #tpu.memory_space<hbm>>
          %dma_start3A_272 = tpu.memref_slice %arg14[%dma_start3A_270] : memref<4x!tpu.dma_semaphore, #tpu.memory_space<semaphore_mem>> -> memref<1x!tpu.dma_semaphore, #tpu.memory_space<semaphore_mem>>
          %dma_start3A_273 = tpu.memref_squeeze %dma_start3A_272 : memref<1x!tpu.dma_semaphore, #tpu.memory_space<semaphore_mem>> -> memref<!tpu.dma_semaphore, #tpu.memory_space<semaphore_mem>>
          %dma_start3A_274 = tpu.memref_slice %arg2[%add3A_269] : memref<160000xi32, #tpu.memory_space<hbm>> -> memref<80xi32, #tpu.memory_space<hbm>>
          tpu.enqueue_dma source(%dma_start3A_274 : memref<80xi32, #tpu.memory_space<hbm>>) target(%arg21 : memref<80xi32, #tpu.memory_space<vmem>>) target_semaphore(%dma_start3A_273 : memref<!tpu.dma_semaphore, #tpu.memory_space<semaphore_mem>>)
          %mul3A_275 = arith.constant 80 : i32
          %mul3A_276 = arith.muli %add3A_262, %mul3A_275 : i32
          %add3A_277 = arith.addi %mul3A_0, %mul3A_276 : i32
          %dma_start3A_278 = arith.constant 1 : i32
          %dma_start3A_279 = tpu.memref_slice %arg3[%add3A_277] : memref<160000xi32, #tpu.memory_space<hbm>> -> memref<80xi32, #tpu.memory_space<hbm>>
          %dma_start3A_280 = tpu.memref_slice %arg15[%dma_start3A_278] : memref<4x!tpu.dma_semaphore, #tpu.memory_space<semaphore_mem>> -> memref<1x!tpu.dma_semaphore, #tpu.memory_space<semaphore_mem>>
          %dma_start3A_281 = tpu.memref_squeeze %dma_start3A_280 : memref<1x!tpu.dma_semaphore, #tpu.memory_space<semaphore_mem>> -> memref<!tpu.dma_semaphore, #tpu.memory_space<semaphore_mem>>
          %dma_start3A_282 = tpu.memref_slice %arg3[%add3A_277] : memref<160000xi32, #tpu.memory_space<hbm>> -> memref<80xi32, #tpu.memory_space<hbm>>
          tpu.enqueue_dma source(%dma_start3A_282 : memref<80xi32, #tpu.memory_space<hbm>>) target(%arg10 : memref<80xi32, #tpu.memory_space<vmem>>) target_semaphore(%dma_start3A_281 : memref<!tpu.dma_semaphore, #tpu.memory_space<semaphore_mem>>)
        } else {
        }
        %dma_wait3A_233 = arith.constant 0 : i32
        %dma_wait3A_234 = tpu.memref_slice %arg2[%mul3A_0] : memref<160000xi32, #tpu.memory_space<hbm>> -> memref<80xi32, #tpu.memory_space<hbm>>
        %dma_wait3A_235 = tpu.memref_slice %arg14[%dma_wait3A_233] : memref<4x!tpu.dma_semaphore, #tpu.memory_space<semaphore_mem>> -> memref<1x!tpu.dma_semaphore, #tpu.memory_space<semaphore_mem>>
        %dma_wait3A_236 = tpu.memref_squeeze %dma_wait3A_235 : memref<1x!tpu.dma_semaphore, #tpu.memory_space<semaphore_mem>> -> memref<!tpu.dma_semaphore, #tpu.memory_space<semaphore_mem>>
        %dma_wait3A_237 = tpu.memref_slice %arg2[%mul3A_0] : memref<160000xi32, #tpu.memory_space<hbm>> -> memref<80xi32, #tpu.memory_space<hbm>>
        tpu.wait_dma2 semaphore(%dma_wait3A_236 : memref<!tpu.dma_semaphore, #tpu.memory_space<semaphore_mem>>) src(%dma_wait3A_237 : memref<80xi32, #tpu.memory_space<hbm>>) dst(%arg20 : memref<80xi32, #tpu.memory_space<vmem>>)
        %dma_start3A_238 = arith.constant 0 : i32
        %dma_start3A_239 = arith.constant 0 : i32
        %dma_start3A_240 = arith.constant 0 : i32
        %dma_start3A_241 = tpu.memref_slice %arg4[%dma_start3A_239, %dma_start3A_240] : memref<10000x128xf32, #tpu.memory_space<hbm>> -> memref<10000x128xf32, #tpu.memory_space<hbm>>
        %dma_start3A_242 = tpu.memref_slice %arg13[%dma_start3A_238] : memref<4x!tpu.dma_semaphore, #tpu.memory_space<semaphore_mem>> -> memref<1x!tpu.dma_semaphore, #tpu.memory_space<semaphore_mem>>
        %dma_start3A_243 = tpu.memref_squeeze %dma_start3A_242 : memref<1x!tpu.dma_semaphore, #tpu.memory_space<semaphore_mem>> -> memref<!tpu.dma_semaphore, #tpu.memory_space<semaphore_mem>>
        tpu.enqueue_indirect_dma source(%dma_start3A_241 : memref<10000x128xf32, #tpu.memory_space<hbm>>) target(%arg16 : memref<80x128xf32, #tpu.memory_space<vmem>>) offsets(%arg20 : memref<80xi32, #tpu.memory_space<vmem>>) semaphore(%dma_start3A_243 : memref<!tpu.dma_semaphore, #tpu.memory_space<semaphore_mem>>)
        %dma_wait3A_244 = arith.constant 3 : i32
        %dma_wait3A_245 = tpu.memref_slice %arg3[%mul3A_0] : memref<160000xi32, #tpu.memory_space<hbm>> -> memref<80xi32, #tpu.memory_space<hbm>>
        %dma_wait3A_246 = tpu.memref_slice %arg15[%dma_wait3A_244] : memref<4x!tpu.dma_semaphore, #tpu.memory_space<semaphore_mem>> -> memref<1x!tpu.dma_semaphore, #tpu.memory_space<semaphore_mem>>
        %dma_wait3A_247 = tpu.memref_squeeze %dma_wait3A_246 : memref<1x!tpu.dma_semaphore, #tpu.memory_space<semaphore_mem>> -> memref<!tpu.dma_semaphore, #tpu.memory_space<semaphore_mem>>
        %dma_wait3A_248 = tpu.memref_slice %arg3[%mul3A_0] : memref<160000xi32, #tpu.memory_space<hbm>> -> memref<80xi32, #tpu.memory_space<hbm>>
        tpu.wait_dma2 semaphore(%dma_wait3A_247 : memref<!tpu.dma_semaphore, #tpu.memory_space<semaphore_mem>>) src(%dma_wait3A_248 : memref<80xi32, #tpu.memory_space<hbm>>) dst(%arg12 : memref<80xi32, #tpu.memory_space<vmem>>)
        %dma_wait3A_249 = arith.constant 3 : i32
        %dma_wait3A_250 = arith.constant 0 : i32
        %dma_wait3A_251 = arith.constant 0 : i32
        %dma_wait3A_252 = tpu.memref_slice %arg4[%dma_wait3A_250, %dma_wait3A_251] : memref<10000x128xf32, #tpu.memory_space<hbm>> -> memref<10000x128xf32, #tpu.memory_space<hbm>>
        %dma_wait3A_253 = tpu.memref_slice %arg13[%dma_wait3A_249] : memref<4x!tpu.dma_semaphore, #tpu.memory_space<semaphore_mem>> -> memref<1x!tpu.dma_semaphore, #tpu.memory_space<semaphore_mem>>
        %dma_wait3A_254 = tpu.memref_squeeze %dma_wait3A_253 : memref<1x!tpu.dma_semaphore, #tpu.memory_space<semaphore_mem>> -> memref<!tpu.dma_semaphore, #tpu.memory_space<semaphore_mem>>
        tpu.wait_indirect_dma semaphore(%dma_wait3A_254 : memref<!tpu.dma_semaphore, #tpu.memory_space<semaphore_mem>>) src(%dma_wait3A_252 : memref<10000x128xf32, #tpu.memory_space<hbm>>) dst(%arg19 : memref<80x128xf32, #tpu.memory_space<vmem>>)
        %dma_start3A_255 = arith.constant 3 : i32
        %dma_start3A_256 = arith.constant 0 : i32
        %dma_start3A_257 = arith.constant 0 : i32
        %dma_start3A_258 = tpu.memref_slice %arg8[%dma_start3A_256, %dma_start3A_257] : memref<10000x128xf32, #tpu.memory_space<vmem_shared>> -> memref<10000x128xf32, #tpu.memory_space<vmem_shared>>
        %dma_start3A_259 = tpu.memref_slice %arg24[%dma_start3A_255] : memref<4x!tpu.dma_semaphore, #tpu.memory_space<semaphore_mem>> -> memref<1x!tpu.dma_semaphore, #tpu.memory_space<semaphore_mem>>
        %dma_start3A_260 = tpu.memref_squeeze %dma_start3A_259 : memref<1x!tpu.dma_semaphore, #tpu.memory_space<semaphore_mem>> -> memref<!tpu.dma_semaphore, #tpu.memory_space<semaphore_mem>>
        tpu.enqueue_indirect_dma source(%arg19 : memref<80x128xf32, #tpu.memory_space<vmem>>) target(%dma_start3A_258 : memref<10000x128xf32, #tpu.memory_space<vmem_shared>>) offsets(%arg12 : memref<80xi32, #tpu.memory_space<vmem>>) semaphore(%dma_start3A_260 : memref<!tpu.dma_semaphore, #tpu.memory_space<semaphore_mem>>) {add = true}
      }
      %scan3A_68 = arith.constant 31 : i32
      %dma_wait3A_69 = arith.constant 0 : i32
      %dma_wait3A_70 = tpu.memref_slice %arg3[%mul3A_0] : memref<160000xi32, #tpu.memory_space<hbm>> -> memref<80xi32, #tpu.memory_space<hbm>>
      %dma_wait3A_71 = tpu.memref_slice %arg15[%dma_wait3A_69] : memref<4x!tpu.dma_semaphore, #tpu.memory_space<semaphore_mem>> -> memref<1x!tpu.dma_semaphore, #tpu.memory_space<semaphore_mem>>
      %dma_wait3A_72 = tpu.memref_squeeze %dma_wait3A_71 : memref<1x!tpu.dma_semaphore, #tpu.memory_space<semaphore_mem>> -> memref<!tpu.dma_semaphore, #tpu.memory_space<semaphore_mem>>
      %dma_wait3A_73 = tpu.memref_slice %arg3[%mul3A_0] : memref<160000xi32, #tpu.memory_space<hbm>> -> memref<80xi32, #tpu.memory_space<hbm>>
      tpu.wait_dma2 semaphore(%dma_wait3A_72 : memref<!tpu.dma_semaphore, #tpu.memory_space<semaphore_mem>>) src(%dma_wait3A_73 : memref<80xi32, #tpu.memory_space<hbm>>) dst(%arg9 : memref<80xi32, #tpu.memory_space<vmem>>)
      %dma_wait3A_74 = arith.constant 0 : i32
      %dma_wait3A_75 = arith.constant 0 : i32
      %dma_wait3A_76 = arith.constant 0 : i32
      %dma_wait3A_77 = tpu.memref_slice %arg4[%dma_wait3A_75, %dma_wait3A_76] : memref<10000x128xf32, #tpu.memory_space<hbm>> -> memref<10000x128xf32, #tpu.memory_space<hbm>>
      %dma_wait3A_78 = tpu.memref_slice %arg13[%dma_wait3A_74] : memref<4x!tpu.dma_semaphore, #tpu.memory_space<semaphore_mem>> -> memref<1x!tpu.dma_semaphore, #tpu.memory_space<semaphore_mem>>
      %dma_wait3A_79 = tpu.memref_squeeze %dma_wait3A_78 : memref<1x!tpu.dma_semaphore, #tpu.memory_space<semaphore_mem>> -> memref<!tpu.dma_semaphore, #tpu.memory_space<semaphore_mem>>
      tpu.wait_indirect_dma semaphore(%dma_wait3A_79 : memref<!tpu.dma_semaphore, #tpu.memory_space<semaphore_mem>>) src(%dma_wait3A_77 : memref<10000x128xf32, #tpu.memory_space<hbm>>) dst(%arg16 : memref<80x128xf32, #tpu.memory_space<vmem>>)
      %dma_start3A_80 = arith.constant 0 : i32
      %dma_start3A_81 = arith.constant 0 : i32
      %dma_start3A_82 = arith.constant 0 : i32
      %dma_start3A_83 = tpu.memref_slice %arg8[%dma_start3A_81, %dma_start3A_82] : memref<10000x128xf32, #tpu.memory_space<vmem_shared>> -> memref<10000x128xf32, #tpu.memory_space<vmem_shared>>
      %dma_start3A_84 = tpu.memref_slice %arg24[%dma_start3A_80] : memref<4x!tpu.dma_semaphore, #tpu.memory_space<semaphore_mem>> -> memref<1x!tpu.dma_semaphore, #tpu.memory_space<semaphore_mem>>
      %dma_start3A_85 = tpu.memref_squeeze %dma_start3A_84 : memref<1x!tpu.dma_semaphore, #tpu.memory_space<semaphore_mem>> -> memref<!tpu.dma_semaphore, #tpu.memory_space<semaphore_mem>>
      tpu.enqueue_indirect_dma source(%arg16 : memref<80x128xf32, #tpu.memory_space<vmem>>) target(%dma_start3A_83 : memref<10000x128xf32, #tpu.memory_space<vmem_shared>>) offsets(%arg9 : memref<80xi32, #tpu.memory_space<vmem>>) semaphore(%dma_start3A_85 : memref<!tpu.dma_semaphore, #tpu.memory_space<semaphore_mem>>) {add = true}
      %dma_wait3A_86 = arith.constant 0 : i32
      %dma_wait3A_87 = arith.constant 0 : i32
      %dma_wait3A_88 = arith.constant 0 : i32
      %dma_wait3A_89 = tpu.memref_slice %arg8[%dma_wait3A_87, %dma_wait3A_88] : memref<10000x128xf32, #tpu.memory_space<vmem_shared>> -> memref<10000x128xf32, #tpu.memory_space<vmem_shared>>
      %dma_wait3A_90 = tpu.memref_slice %arg24[%dma_wait3A_86] : memref<4x!tpu.dma_semaphore, #tpu.memory_space<semaphore_mem>> -> memref<1x!tpu.dma_semaphore, #tpu.memory_space<semaphore_mem>>
      %dma_wait3A_91 = tpu.memref_squeeze %dma_wait3A_90 : memref<1x!tpu.dma_semaphore, #tpu.memory_space<semaphore_mem>> -> memref<!tpu.dma_semaphore, #tpu.memory_space<semaphore_mem>>
      tpu.wait_indirect_dma semaphore(%dma_wait3A_91 : memref<!tpu.dma_semaphore, #tpu.memory_space<semaphore_mem>>) src(%arg16 : memref<80x128xf32, #tpu.memory_space<vmem>>) dst(%dma_wait3A_89 : memref<10000x128xf32, #tpu.memory_space<vmem_shared>>)
      %dma_wait3A_92 = arith.constant 1 : i32
      %dma_wait3A_93 = arith.constant 0 : i32
      %dma_wait3A_94 = arith.constant 0 : i32
      %dma_wait3A_95 = tpu.memref_slice %arg8[%dma_wait3A_93, %dma_wait3A_94] : memref<10000x128xf32, #tpu.memory_space<vmem_shared>> -> memref<10000x128xf32, #tpu.memory_space<vmem_shared>>
      %dma_wait3A_96 = tpu.memref_slice %arg24[%dma_wait3A_92] : memref<4x!tpu.dma_semaphore, #tpu.memory_space<semaphore_mem>> -> memref<1x!tpu.dma_semaphore, #tpu.memory_space<semaphore_mem>>
      %dma_wait3A_97 = tpu.memref_squeeze %dma_wait3A_96 : memref<1x!tpu.dma_semaphore, #tpu.memory_space<semaphore_mem>> -> memref<!tpu.dma_semaphore, #tpu.memory_space<semaphore_mem>>
      tpu.wait_indirect_dma semaphore(%dma_wait3A_97 : memref<!tpu.dma_semaphore, #tpu.memory_space<semaphore_mem>>) src(%arg17 : memref<80x128xf32, #tpu.memory_space<vmem>>) dst(%dma_wait3A_95 : memref<10000x128xf32, #tpu.memory_space<vmem_shared>>)
      %dma_wait3A_98 = arith.constant 2 : i32
      %dma_wait3A_99 = arith.constant 0 : i32
      %dma_wait3A_100 = arith.constant 0 : i32
      %dma_wait3A_101 = tpu.memref_slice %arg8[%dma_wait3A_99, %dma_wait3A_100] : memref<10000x128xf32, #tpu.memory_space<vmem_shared>> -> memref<10000x128xf32, #tpu.memory_space<vmem_shared>>
      %dma_wait3A_102 = tpu.memref_slice %arg24[%dma_wait3A_98] : memref<4x!tpu.dma_semaphore, #tpu.memory_space<semaphore_mem>> -> memref<1x!tpu.dma_semaphore, #tpu.memory_space<semaphore_mem>>
      %dma_wait3A_103 = tpu.memref_squeeze %dma_wait3A_102 : memref<1x!tpu.dma_semaphore, #tpu.memory_space<semaphore_mem>> -> memref<!tpu.dma_semaphore, #tpu.memory_space<semaphore_mem>>
      tpu.wait_indirect_dma semaphore(%dma_wait3A_103 : memref<!tpu.dma_semaphore, #tpu.memory_space<semaphore_mem>>) src(%arg18 : memref<80x128xf32, #tpu.memory_space<vmem>>) dst(%dma_wait3A_101 : memref<10000x128xf32, #tpu.memory_space<vmem_shared>>)
      %dma_wait3A_104 = arith.constant 3 : i32
      %dma_wait3A_105 = arith.constant 0 : i32
      %dma_wait3A_106 = arith.constant 0 : i32
      %dma_wait3A_107 = tpu.memref_slice %arg8[%dma_wait3A_105, %dma_wait3A_106] : memref<10000x128xf32, #tpu.memory_space<vmem_shared>> -> memref<10000x128xf32, #tpu.memory_space<vmem_shared>>
      %dma_wait3A_108 = tpu.memref_slice %arg24[%dma_wait3A_104] : memref<4x!tpu.dma_semaphore, #tpu.memory_space<semaphore_mem>> -> memref<1x!tpu.dma_semaphore, #tpu.memory_space<semaphore_mem>>
      %dma_wait3A_109 = tpu.memref_squeeze %dma_wait3A_108 : memref<1x!tpu.dma_semaphore, #tpu.memory_space<semaphore_mem>> -> memref<!tpu.dma_semaphore, #tpu.memory_space<semaphore_mem>>
      tpu.wait_indirect_dma semaphore(%dma_wait3A_109 : memref<!tpu.dma_semaphore, #tpu.memory_space<semaphore_mem>>) src(%arg19 : memref<80x128xf32, #tpu.memory_space<vmem>>) dst(%dma_wait3A_107 : memref<10000x128xf32, #tpu.memory_space<vmem_shared>>)
    } else {
    }
    %eq3A_3 = arith.constant 1 : i32
    %eq3A_4 = arith.cmpi eq, %arg0, %eq3A_3 : i32
    %convert_element_type3A_5 = arith.extui %eq3A_4 : i1 to i32
    %cond3A_6 = arith.constant 0 : i32
    %cond3A_7 = arith.cmpi ne, %convert_element_type3A_5, %cond3A_6 : i32
    scf.if %cond3A_7 {
      %add3A = arith.constant 0 : i32
      %add3A_18 = arith.addi %mul3A_0, %add3A : i32
      %dma_start3A = arith.constant 0 : i32
      %dma_start3A_19 = tpu.memref_slice %arg2[%add3A_18] : memref<160000xi32, #tpu.memory_space<hbm>> -> memref<80xi32, #tpu.memory_space<hbm>>
      %dma_start3A_20 = tpu.memref_slice %arg14[%dma_start3A] : memref<4x!tpu.dma_semaphore, #tpu.memory_space<semaphore_mem>> -> memref<1x!tpu.dma_semaphore, #tpu.memory_space<semaphore_mem>>
      %dma_start3A_21 = tpu.memref_squeeze %dma_start3A_20 : memref<1x!tpu.dma_semaphore, #tpu.memory_space<semaphore_mem>> -> memref<!tpu.dma_semaphore, #tpu.memory_space<semaphore_mem>>
      %dma_start3A_22 = tpu.memref_slice %arg2[%add3A_18] : memref<160000xi32, #tpu.memory_space<hbm>> -> memref<80xi32, #tpu.memory_space<hbm>>
      tpu.enqueue_dma source(%dma_start3A_22 : memref<80xi32, #tpu.memory_space<hbm>>) target(%arg20 : memref<80xi32, #tpu.memory_space<vmem>>) target_semaphore(%dma_start3A_21 : memref<!tpu.dma_semaphore, #tpu.memory_space<semaphore_mem>>)
      %add3A_23 = arith.constant 0 : i32
      %add3A_24 = arith.addi %mul3A_0, %add3A_23 : i32
      %dma_start3A_25 = arith.constant 0 : i32
      %dma_start3A_26 = tpu.memref_slice %arg3[%add3A_24] : memref<160000xi32, #tpu.memory_space<hbm>> -> memref<80xi32, #tpu.memory_space<hbm>>
      %dma_start3A_27 = tpu.memref_slice %arg15[%dma_start3A_25] : memref<4x!tpu.dma_semaphore, #tpu.memory_space<semaphore_mem>> -> memref<1x!tpu.dma_semaphore, #tpu.memory_space<semaphore_mem>>
      %dma_start3A_28 = tpu.memref_squeeze %dma_start3A_27 : memref<1x!tpu.dma_semaphore, #tpu.memory_space<semaphore_mem>> -> memref<!tpu.dma_semaphore, #tpu.memory_space<semaphore_mem>>
      %dma_start3A_29 = tpu.memref_slice %arg3[%add3A_24] : memref<160000xi32, #tpu.memory_space<hbm>> -> memref<80xi32, #tpu.memory_space<hbm>>
      tpu.enqueue_dma source(%dma_start3A_29 : memref<80xi32, #tpu.memory_space<hbm>>) target(%arg9 : memref<80xi32, #tpu.memory_space<vmem>>) target_semaphore(%dma_start3A_28 : memref<!tpu.dma_semaphore, #tpu.memory_space<semaphore_mem>>)
      %add3A_30 = arith.constant 80 : i32
      %add3A_31 = arith.addi %mul3A_0, %add3A_30 : i32
      %dma_start3A_32 = arith.constant 1 : i32
      %dma_start3A_33 = tpu.memref_slice %arg2[%add3A_31] : memref<160000xi32, #tpu.memory_space<hbm>> -> memref<80xi32, #tpu.memory_space<hbm>>
      %dma_start3A_34 = tpu.memref_slice %arg14[%dma_start3A_32] : memref<4x!tpu.dma_semaphore, #tpu.memory_space<semaphore_mem>> -> memref<1x!tpu.dma_semaphore, #tpu.memory_space<semaphore_mem>>
      %dma_start3A_35 = tpu.memref_squeeze %dma_start3A_34 : memref<1x!tpu.dma_semaphore, #tpu.memory_space<semaphore_mem>> -> memref<!tpu.dma_semaphore, #tpu.memory_space<semaphore_mem>>
      %dma_start3A_36 = tpu.memref_slice %arg2[%add3A_31] : memref<160000xi32, #tpu.memory_space<hbm>> -> memref<80xi32, #tpu.memory_space<hbm>>
      tpu.enqueue_dma source(%dma_start3A_36 : memref<80xi32, #tpu.memory_space<hbm>>) target(%arg21 : memref<80xi32, #tpu.memory_space<vmem>>) target_semaphore(%dma_start3A_35 : memref<!tpu.dma_semaphore, #tpu.memory_space<semaphore_mem>>)
      %add3A_37 = arith.constant 80 : i32
      %add3A_38 = arith.addi %mul3A_0, %add3A_37 : i32
      %dma_start3A_39 = arith.constant 1 : i32
      %dma_start3A_40 = tpu.memref_slice %arg3[%add3A_38] : memref<160000xi32, #tpu.memory_space<hbm>> -> memref<80xi32, #tpu.memory_space<hbm>>
      %dma_start3A_41 = tpu.memref_slice %arg15[%dma_start3A_39] : memref<4x!tpu.dma_semaphore, #tpu.memory_space<semaphore_mem>> -> memref<1x!tpu.dma_semaphore, #tpu.memory_space<semaphore_mem>>
      %dma_start3A_42 = tpu.memref_squeeze %dma_start3A_41 : memref<1x!tpu.dma_semaphore, #tpu.memory_space<semaphore_mem>> -> memref<!tpu.dma_semaphore, #tpu.memory_space<semaphore_mem>>
      %dma_start3A_43 = tpu.memref_slice %arg3[%add3A_38] : memref<160000xi32, #tpu.memory_space<hbm>> -> memref<80xi32, #tpu.memory_space<hbm>>
      tpu.enqueue_dma source(%dma_start3A_43 : memref<80xi32, #tpu.memory_space<hbm>>) target(%arg10 : memref<80xi32, #tpu.memory_space<vmem>>) target_semaphore(%dma_start3A_42 : memref<!tpu.dma_semaphore, #tpu.memory_space<semaphore_mem>>)
      %dma_wait3A = arith.constant 0 : i32
      %dma_wait3A_44 = tpu.memref_slice %arg2[%mul3A_0] : memref<160000xi32, #tpu.memory_space<hbm>> -> memref<80xi32, #tpu.memory_space<hbm>>
      %dma_wait3A_45 = tpu.memref_slice %arg14[%dma_wait3A] : memref<4x!tpu.dma_semaphore, #tpu.memory_space<semaphore_mem>> -> memref<1x!tpu.dma_semaphore, #tpu.memory_space<semaphore_mem>>
      %dma_wait3A_46 = tpu.memref_squeeze %dma_wait3A_45 : memref<1x!tpu.dma_semaphore, #tpu.memory_space<semaphore_mem>> -> memref<!tpu.dma_semaphore, #tpu.memory_space<semaphore_mem>>
      %dma_wait3A_47 = tpu.memref_slice %arg2[%mul3A_0] : memref<160000xi32, #tpu.memory_space<hbm>> -> memref<80xi32, #tpu.memory_space<hbm>>
      tpu.wait_dma2 semaphore(%dma_wait3A_46 : memref<!tpu.dma_semaphore, #tpu.memory_space<semaphore_mem>>) src(%dma_wait3A_47 : memref<80xi32, #tpu.memory_space<hbm>>) dst(%arg20 : memref<80xi32, #tpu.memory_space<vmem>>)
      %dma_start3A_48 = arith.constant 0 : i32
      %dma_start3A_49 = arith.constant 0 : i32
      %dma_start3A_50 = arith.constant 0 : i32
      %dma_start3A_51 = tpu.memref_slice %arg5[%dma_start3A_49, %dma_start3A_50] : memref<10000x128xf32, #tpu.memory_space<hbm>> -> memref<10000x128xf32, #tpu.memory_space<hbm>>
      %dma_start3A_52 = tpu.memref_slice %arg13[%dma_start3A_48] : memref<4x!tpu.dma_semaphore, #tpu.memory_space<semaphore_mem>> -> memref<1x!tpu.dma_semaphore, #tpu.memory_space<semaphore_mem>>
      %dma_start3A_53 = tpu.memref_squeeze %dma_start3A_52 : memref<1x!tpu.dma_semaphore, #tpu.memory_space<semaphore_mem>> -> memref<!tpu.dma_semaphore, #tpu.memory_space<semaphore_mem>>
      tpu.enqueue_indirect_dma source(%dma_start3A_51 : memref<10000x128xf32, #tpu.memory_space<hbm>>) target(%arg16 : memref<80x128xf32, #tpu.memory_space<vmem>>) offsets(%arg20 : memref<80xi32, #tpu.memory_space<vmem>>) semaphore(%dma_start3A_53 : memref<!tpu.dma_semaphore, #tpu.memory_space<semaphore_mem>>)
      %lt3A = arith.constant 15 : i32
      %lt3A_54 = arith.cmpi slt, %arg1, %lt3A : i32
      %convert_element_type3A_55 = arith.extui %lt3A_54 : i1 to i32
      %cond3A_56 = arith.constant 0 : i32
      %cond3A_57 = arith.cmpi ne, %convert_element_type3A_55, %cond3A_56 : i32
      scf.if %cond3A_57 {
        %mul3A_110 = arith.constant 624 : i32
        %mul3A_111 = arith.muli %arg1, %mul3A_110 : i32
        %mul3A_112 = arith.constant 624 : i32
        %mul3A_113 = arith.muli %arg1, %mul3A_112 : i32
        "tpu.region"() ({
          %run_scoped3A = tpu.sem_alloc : memref<!tpu.dma_semaphore, #tpu.memory_space<semaphore_mem>>
          %dma_start3A_114 = arith.constant 0 : i32
          %dma_start3A_115 = tpu.memref_slice %arg8[%mul3A_113, %dma_start3A_114] : memref<10000x128xf32, #tpu.memory_space<vmem_shared>> -> memref<624x128xf32, #tpu.memory_space<vmem_shared>>
          %dma_start3A_116 = arith.constant 0 : i32
          %dma_start3A_117 = tpu.memref_slice %arg5[%mul3A_111, %dma_start3A_116] : memref<10000x128xf32, #tpu.memory_space<hbm>> -> memref<624x128xf32, #tpu.memory_space<hbm>>
          tpu.enqueue_dma source(%dma_start3A_117 : memref<624x128xf32, #tpu.memory_space<hbm>>) target(%dma_start3A_115 : memref<624x128xf32, #tpu.memory_space<vmem_shared>>) target_semaphore(%run_scoped3A : memref<!tpu.dma_semaphore, #tpu.memory_space<semaphore_mem>>)
          %dma_wait3A_118 = arith.constant 0 : i32
          %dma_wait3A_119 = tpu.memref_slice %arg8[%mul3A_113, %dma_wait3A_118] : memref<10000x128xf32, #tpu.memory_space<vmem_shared>> -> memref<624x128xf32, #tpu.memory_space<vmem_shared>>
          %dma_wait3A_120 = arith.constant 0 : i32
          %dma_wait3A_121 = tpu.memref_slice %arg5[%mul3A_111, %dma_wait3A_120] : memref<10000x128xf32, #tpu.memory_space<hbm>> -> memref<624x128xf32, #tpu.memory_space<hbm>>
          tpu.wait_dma2 semaphore(%run_scoped3A : memref<!tpu.dma_semaphore, #tpu.memory_space<semaphore_mem>>) src(%dma_wait3A_121 : memref<624x128xf32, #tpu.memory_space<hbm>>) dst(%dma_wait3A_119 : memref<624x128xf32, #tpu.memory_space<vmem_shared>>)
          tpu.yield
        }) : () -> ()
      } else {
      }
      %eq3A_58 = arith.constant 15 : i32
      %eq3A_59 = arith.cmpi eq, %arg1, %eq3A_58 : i32
      %convert_element_type3A_60 = arith.extui %eq3A_59 : i1 to i32
      %cond3A_61 = arith.constant 0 : i32
      %cond3A_62 = arith.cmpi ne, %convert_element_type3A_60, %cond3A_61 : i32
      scf.if %cond3A_62 {
        "tpu.region"() ({
          %run_scoped3A = tpu.sem_alloc : memref<!tpu.dma_semaphore, #tpu.memory_space<semaphore_mem>>
          %dma_start3A_110 = arith.constant 9360 : i32
          %dma_start3A_111 = arith.constant 0 : i32
          %dma_start3A_112 = tpu.memref_slice %arg8[%dma_start3A_110, %dma_start3A_111] : memref<10000x128xf32, #tpu.memory_space<vmem_shared>> -> memref<640x128xf32, #tpu.memory_space<vmem_shared>>
          %dma_start3A_113 = arith.constant 9360 : i32
          %dma_start3A_114 = arith.constant 0 : i32
          %dma_start3A_115 = tpu.memref_slice %arg5[%dma_start3A_113, %dma_start3A_114] : memref<10000x128xf32, #tpu.memory_space<hbm>> -> memref<640x128xf32, #tpu.memory_space<hbm>>
          tpu.enqueue_dma source(%dma_start3A_115 : memref<640x128xf32, #tpu.memory_space<hbm>>) target(%dma_start3A_112 : memref<640x128xf32, #tpu.memory_space<vmem_shared>>) target_semaphore(%run_scoped3A : memref<!tpu.dma_semaphore, #tpu.memory_space<semaphore_mem>>)
          %dma_wait3A_116 = arith.constant 9360 : i32
          %dma_wait3A_117 = arith.constant 0 : i32
          %dma_wait3A_118 = tpu.memref_slice %arg8[%dma_wait3A_116, %dma_wait3A_117] : memref<10000x128xf32, #tpu.memory_space<vmem_shared>> -> memref<640x128xf32, #tpu.memory_space<vmem_shared>>
          %dma_wait3A_119 = arith.constant 9360 : i32
          %dma_wait3A_120 = arith.constant 0 : i32
          %dma_wait3A_121 = tpu.memref_slice %arg5[%dma_wait3A_119, %dma_wait3A_120] : memref<10000x128xf32, #tpu.memory_space<hbm>> -> memref<640x128xf32, #tpu.memory_space<hbm>>
          tpu.wait_dma2 semaphore(%run_scoped3A : memref<!tpu.dma_semaphore, #tpu.memory_space<semaphore_mem>>) src(%dma_wait3A_121 : memref<640x128xf32, #tpu.memory_space<hbm>>) dst(%dma_wait3A_118 : memref<640x128xf32, #tpu.memory_space<vmem_shared>>)
          tpu.yield
        }) : () -> ()
      } else {
      }
      %barrier3A_63 = arith.constant 0 : index
      tpu.barrier barrier_id(%barrier3A_63)
      %scan3A = arith.constant 0 : i32
      %scan3A_64 = arith.constant 0 : i32
      %scan3A_65 = arith.constant 31 : i32
      %scan3A_66 = arith.addi %scan3A_64, %scan3A_65 : i32
      %scan3A_67 = arith.constant 1 : i32
      scf.for %scan3A_110 = %scan3A_64 to %scan3A_66 step %scan3A_67  : i32 {
        %mul3A_111 = arith.constant 4 : i32
        %mul3A_112 = arith.muli %scan3A_110, %mul3A_111 : i32
        %add3A_113 = arith.constant 0 : i32
        %add3A_114 = arith.addi %mul3A_112, %add3A_113 : i32
        %add3A_115 = arith.constant 2 : i32
        %add3A_116 = arith.addi %add3A_114, %add3A_115 : i32
        %lt3A_117 = arith.constant 125 : i32
        %lt3A_118 = arith.cmpi slt, %add3A_116, %lt3A_117 : i32
        %convert_element_type3A_119 = arith.extui %lt3A_118 : i1 to i32
        %cond3A_120 = arith.constant 0 : i32
        %cond3A_121 = arith.cmpi ne, %convert_element_type3A_119, %cond3A_120 : i32
        scf.if %cond3A_121 {
          %add3A_261 = arith.constant 2 : i32
          %add3A_262 = arith.addi %add3A_114, %add3A_261 : i32
          %ge3A = arith.constant 4 : i32
          %ge3A_263 = arith.cmpi sge, %add3A_262, %ge3A : i32
          %convert_element_type3A_264 = arith.extui %ge3A_263 : i1 to i32
          %cond3A_265 = arith.constant 0 : i32
          %cond3A_266 = arith.cmpi ne, %convert_element_type3A_264, %cond3A_265 : i32
          scf.if %cond3A_266 {
            %dma_wait3A_283 = arith.constant 2 : i32
            %dma_wait3A_284 = arith.constant 0 : i32
            %dma_wait3A_285 = arith.constant 0 : i32
            %dma_wait3A_286 = tpu.memref_slice %arg8[%dma_wait3A_284, %dma_wait3A_285] : memref<10000x128xf32, #tpu.memory_space<vmem_shared>> -> memref<10000x128xf32, #tpu.memory_space<vmem_shared>>
            %dma_wait3A_287 = tpu.memref_slice %arg24[%dma_wait3A_283] : memref<4x!tpu.dma_semaphore, #tpu.memory_space<semaphore_mem>> -> memref<1x!tpu.dma_semaphore, #tpu.memory_space<semaphore_mem>>
            %dma_wait3A_288 = tpu.memref_squeeze %dma_wait3A_287 : memref<1x!tpu.dma_semaphore, #tpu.memory_space<semaphore_mem>> -> memref<!tpu.dma_semaphore, #tpu.memory_space<semaphore_mem>>
            tpu.wait_indirect_dma semaphore(%dma_wait3A_288 : memref<!tpu.dma_semaphore, #tpu.memory_space<semaphore_mem>>) src(%arg18 : memref<80x128xf32, #tpu.memory_space<vmem>>) dst(%dma_wait3A_286 : memref<10000x128xf32, #tpu.memory_space<vmem_shared>>)
          } else {
          }
          %mul3A_267 = arith.constant 80 : i32
          %mul3A_268 = arith.muli %add3A_262, %mul3A_267 : i32
          %add3A_269 = arith.addi %mul3A_0, %mul3A_268 : i32
          %dma_start3A_270 = arith.constant 2 : i32
          %dma_start3A_271 = tpu.memref_slice %arg2[%add3A_269] : memref<160000xi32, #tpu.memory_space<hbm>> -> memref<80xi32, #tpu.memory_space<hbm>>
          %dma_start3A_272 = tpu.memref_slice %arg14[%dma_start3A_270] : memref<4x!tpu.dma_semaphore, #tpu.memory_space<semaphore_mem>> -> memref<1x!tpu.dma_semaphore, #tpu.memory_space<semaphore_mem>>
          %dma_start3A_273 = tpu.memref_squeeze %dma_start3A_272 : memref<1x!tpu.dma_semaphore, #tpu.memory_space<semaphore_mem>> -> memref<!tpu.dma_semaphore, #tpu.memory_space<semaphore_mem>>
          %dma_start3A_274 = tpu.memref_slice %arg2[%add3A_269] : memref<160000xi32, #tpu.memory_space<hbm>> -> memref<80xi32, #tpu.memory_space<hbm>>
          tpu.enqueue_dma source(%dma_start3A_274 : memref<80xi32, #tpu.memory_space<hbm>>) target(%arg22 : memref<80xi32, #tpu.memory_space<vmem>>) target_semaphore(%dma_start3A_273 : memref<!tpu.dma_semaphore, #tpu.memory_space<semaphore_mem>>)
          %mul3A_275 = arith.constant 80 : i32
          %mul3A_276 = arith.muli %add3A_262, %mul3A_275 : i32
          %add3A_277 = arith.addi %mul3A_0, %mul3A_276 : i32
          %dma_start3A_278 = arith.constant 2 : i32
          %dma_start3A_279 = tpu.memref_slice %arg3[%add3A_277] : memref<160000xi32, #tpu.memory_space<hbm>> -> memref<80xi32, #tpu.memory_space<hbm>>
          %dma_start3A_280 = tpu.memref_slice %arg15[%dma_start3A_278] : memref<4x!tpu.dma_semaphore, #tpu.memory_space<semaphore_mem>> -> memref<1x!tpu.dma_semaphore, #tpu.memory_space<semaphore_mem>>
          %dma_start3A_281 = tpu.memref_squeeze %dma_start3A_280 : memref<1x!tpu.dma_semaphore, #tpu.memory_space<semaphore_mem>> -> memref<!tpu.dma_semaphore, #tpu.memory_space<semaphore_mem>>
          %dma_start3A_282 = tpu.memref_slice %arg3[%add3A_277] : memref<160000xi32, #tpu.memory_space<hbm>> -> memref<80xi32, #tpu.memory_space<hbm>>
          tpu.enqueue_dma source(%dma_start3A_282 : memref<80xi32, #tpu.memory_space<hbm>>) target(%arg11 : memref<80xi32, #tpu.memory_space<vmem>>) target_semaphore(%dma_start3A_281 : memref<!tpu.dma_semaphore, #tpu.memory_space<semaphore_mem>>)
        } else {
        }
        %dma_wait3A_122 = arith.constant 1 : i32
        %dma_wait3A_123 = tpu.memref_slice %arg2[%mul3A_0] : memref<160000xi32, #tpu.memory_space<hbm>> -> memref<80xi32, #tpu.memory_space<hbm>>
        %dma_wait3A_124 = tpu.memref_slice %arg14[%dma_wait3A_122] : memref<4x!tpu.dma_semaphore, #tpu.memory_space<semaphore_mem>> -> memref<1x!tpu.dma_semaphore, #tpu.memory_space<semaphore_mem>>
        %dma_wait3A_125 = tpu.memref_squeeze %dma_wait3A_124 : memref<1x!tpu.dma_semaphore, #tpu.memory_space<semaphore_mem>> -> memref<!tpu.dma_semaphore, #tpu.memory_space<semaphore_mem>>
        %dma_wait3A_126 = tpu.memref_slice %arg2[%mul3A_0] : memref<160000xi32, #tpu.memory_space<hbm>> -> memref<80xi32, #tpu.memory_space<hbm>>
        tpu.wait_dma2 semaphore(%dma_wait3A_125 : memref<!tpu.dma_semaphore, #tpu.memory_space<semaphore_mem>>) src(%dma_wait3A_126 : memref<80xi32, #tpu.memory_space<hbm>>) dst(%arg21 : memref<80xi32, #tpu.memory_space<vmem>>)
        %dma_start3A_127 = arith.constant 1 : i32
        %dma_start3A_128 = arith.constant 0 : i32
        %dma_start3A_129 = arith.constant 0 : i32
        %dma_start3A_130 = tpu.memref_slice %arg5[%dma_start3A_128, %dma_start3A_129] : memref<10000x128xf32, #tpu.memory_space<hbm>> -> memref<10000x128xf32, #tpu.memory_space<hbm>>
        %dma_start3A_131 = tpu.memref_slice %arg13[%dma_start3A_127] : memref<4x!tpu.dma_semaphore, #tpu.memory_space<semaphore_mem>> -> memref<1x!tpu.dma_semaphore, #tpu.memory_space<semaphore_mem>>
        %dma_start3A_132 = tpu.memref_squeeze %dma_start3A_131 : memref<1x!tpu.dma_semaphore, #tpu.memory_space<semaphore_mem>> -> memref<!tpu.dma_semaphore, #tpu.memory_space<semaphore_mem>>
        tpu.enqueue_indirect_dma source(%dma_start3A_130 : memref<10000x128xf32, #tpu.memory_space<hbm>>) target(%arg17 : memref<80x128xf32, #tpu.memory_space<vmem>>) offsets(%arg21 : memref<80xi32, #tpu.memory_space<vmem>>) semaphore(%dma_start3A_132 : memref<!tpu.dma_semaphore, #tpu.memory_space<semaphore_mem>>)
        %dma_wait3A_133 = arith.constant 0 : i32
        %dma_wait3A_134 = tpu.memref_slice %arg3[%mul3A_0] : memref<160000xi32, #tpu.memory_space<hbm>> -> memref<80xi32, #tpu.memory_space<hbm>>
        %dma_wait3A_135 = tpu.memref_slice %arg15[%dma_wait3A_133] : memref<4x!tpu.dma_semaphore, #tpu.memory_space<semaphore_mem>> -> memref<1x!tpu.dma_semaphore, #tpu.memory_space<semaphore_mem>>
        %dma_wait3A_136 = tpu.memref_squeeze %dma_wait3A_135 : memref<1x!tpu.dma_semaphore, #tpu.memory_space<semaphore_mem>> -> memref<!tpu.dma_semaphore, #tpu.memory_space<semaphore_mem>>
        %dma_wait3A_137 = tpu.memref_slice %arg3[%mul3A_0] : memref<160000xi32, #tpu.memory_space<hbm>> -> memref<80xi32, #tpu.memory_space<hbm>>
        tpu.wait_dma2 semaphore(%dma_wait3A_136 : memref<!tpu.dma_semaphore, #tpu.memory_space<semaphore_mem>>) src(%dma_wait3A_137 : memref<80xi32, #tpu.memory_space<hbm>>) dst(%arg9 : memref<80xi32, #tpu.memory_space<vmem>>)
        %dma_wait3A_138 = arith.constant 0 : i32
        %dma_wait3A_139 = arith.constant 0 : i32
        %dma_wait3A_140 = arith.constant 0 : i32
        %dma_wait3A_141 = tpu.memref_slice %arg5[%dma_wait3A_139, %dma_wait3A_140] : memref<10000x128xf32, #tpu.memory_space<hbm>> -> memref<10000x128xf32, #tpu.memory_space<hbm>>
        %dma_wait3A_142 = tpu.memref_slice %arg13[%dma_wait3A_138] : memref<4x!tpu.dma_semaphore, #tpu.memory_space<semaphore_mem>> -> memref<1x!tpu.dma_semaphore, #tpu.memory_space<semaphore_mem>>
        %dma_wait3A_143 = tpu.memref_squeeze %dma_wait3A_142 : memref<1x!tpu.dma_semaphore, #tpu.memory_space<semaphore_mem>> -> memref<!tpu.dma_semaphore, #tpu.memory_space<semaphore_mem>>
        tpu.wait_indirect_dma semaphore(%dma_wait3A_143 : memref<!tpu.dma_semaphore, #tpu.memory_space<semaphore_mem>>) src(%dma_wait3A_141 : memref<10000x128xf32, #tpu.memory_space<hbm>>) dst(%arg16 : memref<80x128xf32, #tpu.memory_space<vmem>>)
        %dma_start3A_144 = arith.constant 0 : i32
        %dma_start3A_145 = arith.constant 0 : i32
        %dma_start3A_146 = arith.constant 0 : i32
        %dma_start3A_147 = tpu.memref_slice %arg8[%dma_start3A_145, %dma_start3A_146] : memref<10000x128xf32, #tpu.memory_space<vmem_shared>> -> memref<10000x128xf32, #tpu.memory_space<vmem_shared>>
        %dma_start3A_148 = tpu.memref_slice %arg24[%dma_start3A_144] : memref<4x!tpu.dma_semaphore, #tpu.memory_space<semaphore_mem>> -> memref<1x!tpu.dma_semaphore, #tpu.memory_space<semaphore_mem>>
        %dma_start3A_149 = tpu.memref_squeeze %dma_start3A_148 : memref<1x!tpu.dma_semaphore, #tpu.memory_space<semaphore_mem>> -> memref<!tpu.dma_semaphore, #tpu.memory_space<semaphore_mem>>
        tpu.enqueue_indirect_dma source(%arg16 : memref<80x128xf32, #tpu.memory_space<vmem>>) target(%dma_start3A_147 : memref<10000x128xf32, #tpu.memory_space<vmem_shared>>) offsets(%arg9 : memref<80xi32, #tpu.memory_space<vmem>>) semaphore(%dma_start3A_149 : memref<!tpu.dma_semaphore, #tpu.memory_space<semaphore_mem>>) {add = true}
        %add3A_150 = arith.constant 1 : i32
        %add3A_151 = arith.addi %mul3A_112, %add3A_150 : i32
        %add3A_152 = arith.constant 2 : i32
        %add3A_153 = arith.addi %add3A_151, %add3A_152 : i32
        %lt3A_154 = arith.constant 125 : i32
        %lt3A_155 = arith.cmpi slt, %add3A_153, %lt3A_154 : i32
        %convert_element_type3A_156 = arith.extui %lt3A_155 : i1 to i32
        %cond3A_157 = arith.constant 0 : i32
        %cond3A_158 = arith.cmpi ne, %convert_element_type3A_156, %cond3A_157 : i32
        scf.if %cond3A_158 {
          %add3A_261 = arith.constant 2 : i32
          %add3A_262 = arith.addi %add3A_151, %add3A_261 : i32
          %ge3A = arith.constant 4 : i32
          %ge3A_263 = arith.cmpi sge, %add3A_262, %ge3A : i32
          %convert_element_type3A_264 = arith.extui %ge3A_263 : i1 to i32
          %cond3A_265 = arith.constant 0 : i32
          %cond3A_266 = arith.cmpi ne, %convert_element_type3A_264, %cond3A_265 : i32
          scf.if %cond3A_266 {
            %dma_wait3A_283 = arith.constant 3 : i32
            %dma_wait3A_284 = arith.constant 0 : i32
            %dma_wait3A_285 = arith.constant 0 : i32
            %dma_wait3A_286 = tpu.memref_slice %arg8[%dma_wait3A_284, %dma_wait3A_285] : memref<10000x128xf32, #tpu.memory_space<vmem_shared>> -> memref<10000x128xf32, #tpu.memory_space<vmem_shared>>
            %dma_wait3A_287 = tpu.memref_slice %arg24[%dma_wait3A_283] : memref<4x!tpu.dma_semaphore, #tpu.memory_space<semaphore_mem>> -> memref<1x!tpu.dma_semaphore, #tpu.memory_space<semaphore_mem>>
            %dma_wait3A_288 = tpu.memref_squeeze %dma_wait3A_287 : memref<1x!tpu.dma_semaphore, #tpu.memory_space<semaphore_mem>> -> memref<!tpu.dma_semaphore, #tpu.memory_space<semaphore_mem>>
            tpu.wait_indirect_dma semaphore(%dma_wait3A_288 : memref<!tpu.dma_semaphore, #tpu.memory_space<semaphore_mem>>) src(%arg19 : memref<80x128xf32, #tpu.memory_space<vmem>>) dst(%dma_wait3A_286 : memref<10000x128xf32, #tpu.memory_space<vmem_shared>>)
          } else {
          }
          %mul3A_267 = arith.constant 80 : i32
          %mul3A_268 = arith.muli %add3A_262, %mul3A_267 : i32
          %add3A_269 = arith.addi %mul3A_0, %mul3A_268 : i32
          %dma_start3A_270 = arith.constant 3 : i32
          %dma_start3A_271 = tpu.memref_slice %arg2[%add3A_269] : memref<160000xi32, #tpu.memory_space<hbm>> -> memref<80xi32, #tpu.memory_space<hbm>>
          %dma_start3A_272 = tpu.memref_slice %arg14[%dma_start3A_270] : memref<4x!tpu.dma_semaphore, #tpu.memory_space<semaphore_mem>> -> memref<1x!tpu.dma_semaphore, #tpu.memory_space<semaphore_mem>>
          %dma_start3A_273 = tpu.memref_squeeze %dma_start3A_272 : memref<1x!tpu.dma_semaphore, #tpu.memory_space<semaphore_mem>> -> memref<!tpu.dma_semaphore, #tpu.memory_space<semaphore_mem>>
          %dma_start3A_274 = tpu.memref_slice %arg2[%add3A_269] : memref<160000xi32, #tpu.memory_space<hbm>> -> memref<80xi32, #tpu.memory_space<hbm>>
          tpu.enqueue_dma source(%dma_start3A_274 : memref<80xi32, #tpu.memory_space<hbm>>) target(%arg23 : memref<80xi32, #tpu.memory_space<vmem>>) target_semaphore(%dma_start3A_273 : memref<!tpu.dma_semaphore, #tpu.memory_space<semaphore_mem>>)
          %mul3A_275 = arith.constant 80 : i32
          %mul3A_276 = arith.muli %add3A_262, %mul3A_275 : i32
          %add3A_277 = arith.addi %mul3A_0, %mul3A_276 : i32
          %dma_start3A_278 = arith.constant 3 : i32
          %dma_start3A_279 = tpu.memref_slice %arg3[%add3A_277] : memref<160000xi32, #tpu.memory_space<hbm>> -> memref<80xi32, #tpu.memory_space<hbm>>
          %dma_start3A_280 = tpu.memref_slice %arg15[%dma_start3A_278] : memref<4x!tpu.dma_semaphore, #tpu.memory_space<semaphore_mem>> -> memref<1x!tpu.dma_semaphore, #tpu.memory_space<semaphore_mem>>
          %dma_start3A_281 = tpu.memref_squeeze %dma_start3A_280 : memref<1x!tpu.dma_semaphore, #tpu.memory_space<semaphore_mem>> -> memref<!tpu.dma_semaphore, #tpu.memory_space<semaphore_mem>>
          %dma_start3A_282 = tpu.memref_slice %arg3[%add3A_277] : memref<160000xi32, #tpu.memory_space<hbm>> -> memref<80xi32, #tpu.memory_space<hbm>>
          tpu.enqueue_dma source(%dma_start3A_282 : memref<80xi32, #tpu.memory_space<hbm>>) target(%arg12 : memref<80xi32, #tpu.memory_space<vmem>>) target_semaphore(%dma_start3A_281 : memref<!tpu.dma_semaphore, #tpu.memory_space<semaphore_mem>>)
        } else {
        }
        %dma_wait3A_159 = arith.constant 2 : i32
        %dma_wait3A_160 = tpu.memref_slice %arg2[%mul3A_0] : memref<160000xi32, #tpu.memory_space<hbm>> -> memref<80xi32, #tpu.memory_space<hbm>>
        %dma_wait3A_161 = tpu.memref_slice %arg14[%dma_wait3A_159] : memref<4x!tpu.dma_semaphore, #tpu.memory_space<semaphore_mem>> -> memref<1x!tpu.dma_semaphore, #tpu.memory_space<semaphore_mem>>
        %dma_wait3A_162 = tpu.memref_squeeze %dma_wait3A_161 : memref<1x!tpu.dma_semaphore, #tpu.memory_space<semaphore_mem>> -> memref<!tpu.dma_semaphore, #tpu.memory_space<semaphore_mem>>
        %dma_wait3A_163 = tpu.memref_slice %arg2[%mul3A_0] : memref<160000xi32, #tpu.memory_space<hbm>> -> memref<80xi32, #tpu.memory_space<hbm>>
        tpu.wait_dma2 semaphore(%dma_wait3A_162 : memref<!tpu.dma_semaphore, #tpu.memory_space<semaphore_mem>>) src(%dma_wait3A_163 : memref<80xi32, #tpu.memory_space<hbm>>) dst(%arg22 : memref<80xi32, #tpu.memory_space<vmem>>)
        %dma_start3A_164 = arith.constant 2 : i32
        %dma_start3A_165 = arith.constant 0 : i32
        %dma_start3A_166 = arith.constant 0 : i32
        %dma_start3A_167 = tpu.memref_slice %arg5[%dma_start3A_165, %dma_start3A_166] : memref<10000x128xf32, #tpu.memory_space<hbm>> -> memref<10000x128xf32, #tpu.memory_space<hbm>>
        %dma_start3A_168 = tpu.memref_slice %arg13[%dma_start3A_164] : memref<4x!tpu.dma_semaphore, #tpu.memory_space<semaphore_mem>> -> memref<1x!tpu.dma_semaphore, #tpu.memory_space<semaphore_mem>>
        %dma_start3A_169 = tpu.memref_squeeze %dma_start3A_168 : memref<1x!tpu.dma_semaphore, #tpu.memory_space<semaphore_mem>> -> memref<!tpu.dma_semaphore, #tpu.memory_space<semaphore_mem>>
        tpu.enqueue_indirect_dma source(%dma_start3A_167 : memref<10000x128xf32, #tpu.memory_space<hbm>>) target(%arg18 : memref<80x128xf32, #tpu.memory_space<vmem>>) offsets(%arg22 : memref<80xi32, #tpu.memory_space<vmem>>) semaphore(%dma_start3A_169 : memref<!tpu.dma_semaphore, #tpu.memory_space<semaphore_mem>>)
        %dma_wait3A_170 = arith.constant 1 : i32
        %dma_wait3A_171 = tpu.memref_slice %arg3[%mul3A_0] : memref<160000xi32, #tpu.memory_space<hbm>> -> memref<80xi32, #tpu.memory_space<hbm>>
        %dma_wait3A_172 = tpu.memref_slice %arg15[%dma_wait3A_170] : memref<4x!tpu.dma_semaphore, #tpu.memory_space<semaphore_mem>> -> memref<1x!tpu.dma_semaphore, #tpu.memory_space<semaphore_mem>>
        %dma_wait3A_173 = tpu.memref_squeeze %dma_wait3A_172 : memref<1x!tpu.dma_semaphore, #tpu.memory_space<semaphore_mem>> -> memref<!tpu.dma_semaphore, #tpu.memory_space<semaphore_mem>>
        %dma_wait3A_174 = tpu.memref_slice %arg3[%mul3A_0] : memref<160000xi32, #tpu.memory_space<hbm>> -> memref<80xi32, #tpu.memory_space<hbm>>
        tpu.wait_dma2 semaphore(%dma_wait3A_173 : memref<!tpu.dma_semaphore, #tpu.memory_space<semaphore_mem>>) src(%dma_wait3A_174 : memref<80xi32, #tpu.memory_space<hbm>>) dst(%arg10 : memref<80xi32, #tpu.memory_space<vmem>>)
        %dma_wait3A_175 = arith.constant 1 : i32
        %dma_wait3A_176 = arith.constant 0 : i32
        %dma_wait3A_177 = arith.constant 0 : i32
        %dma_wait3A_178 = tpu.memref_slice %arg5[%dma_wait3A_176, %dma_wait3A_177] : memref<10000x128xf32, #tpu.memory_space<hbm>> -> memref<10000x128xf32, #tpu.memory_space<hbm>>
        %dma_wait3A_179 = tpu.memref_slice %arg13[%dma_wait3A_175] : memref<4x!tpu.dma_semaphore, #tpu.memory_space<semaphore_mem>> -> memref<1x!tpu.dma_semaphore, #tpu.memory_space<semaphore_mem>>
        %dma_wait3A_180 = tpu.memref_squeeze %dma_wait3A_179 : memref<1x!tpu.dma_semaphore, #tpu.memory_space<semaphore_mem>> -> memref<!tpu.dma_semaphore, #tpu.memory_space<semaphore_mem>>
        tpu.wait_indirect_dma semaphore(%dma_wait3A_180 : memref<!tpu.dma_semaphore, #tpu.memory_space<semaphore_mem>>) src(%dma_wait3A_178 : memref<10000x128xf32, #tpu.memory_space<hbm>>) dst(%arg17 : memref<80x128xf32, #tpu.memory_space<vmem>>)
        %dma_start3A_181 = arith.constant 1 : i32
        %dma_start3A_182 = arith.constant 0 : i32
        %dma_start3A_183 = arith.constant 0 : i32
        %dma_start3A_184 = tpu.memref_slice %arg8[%dma_start3A_182, %dma_start3A_183] : memref<10000x128xf32, #tpu.memory_space<vmem_shared>> -> memref<10000x128xf32, #tpu.memory_space<vmem_shared>>
        %dma_start3A_185 = tpu.memref_slice %arg24[%dma_start3A_181] : memref<4x!tpu.dma_semaphore, #tpu.memory_space<semaphore_mem>> -> memref<1x!tpu.dma_semaphore, #tpu.memory_space<semaphore_mem>>
        %dma_start3A_186 = tpu.memref_squeeze %dma_start3A_185 : memref<1x!tpu.dma_semaphore, #tpu.memory_space<semaphore_mem>> -> memref<!tpu.dma_semaphore, #tpu.memory_space<semaphore_mem>>
        tpu.enqueue_indirect_dma source(%arg17 : memref<80x128xf32, #tpu.memory_space<vmem>>) target(%dma_start3A_184 : memref<10000x128xf32, #tpu.memory_space<vmem_shared>>) offsets(%arg10 : memref<80xi32, #tpu.memory_space<vmem>>) semaphore(%dma_start3A_186 : memref<!tpu.dma_semaphore, #tpu.memory_space<semaphore_mem>>) {add = true}
        %add3A_187 = arith.constant 2 : i32
        %add3A_188 = arith.addi %mul3A_112, %add3A_187 : i32
        %add3A_189 = arith.constant 2 : i32
        %add3A_190 = arith.addi %add3A_188, %add3A_189 : i32
        %lt3A_191 = arith.constant 125 : i32
        %lt3A_192 = arith.cmpi slt, %add3A_190, %lt3A_191 : i32
        %convert_element_type3A_193 = arith.extui %lt3A_192 : i1 to i32
        %cond3A_194 = arith.constant 0 : i32
        %cond3A_195 = arith.cmpi ne, %convert_element_type3A_193, %cond3A_194 : i32
        scf.if %cond3A_195 {
          %add3A_261 = arith.constant 2 : i32
          %add3A_262 = arith.addi %add3A_188, %add3A_261 : i32
          %ge3A = arith.constant 4 : i32
          %ge3A_263 = arith.cmpi sge, %add3A_262, %ge3A : i32
          %convert_element_type3A_264 = arith.extui %ge3A_263 : i1 to i32
          %cond3A_265 = arith.constant 0 : i32
          %cond3A_266 = arith.cmpi ne, %convert_element_type3A_264, %cond3A_265 : i32
          scf.if %cond3A_266 {
            %dma_wait3A_283 = arith.constant 0 : i32
            %dma_wait3A_284 = arith.constant 0 : i32
            %dma_wait3A_285 = arith.constant 0 : i32
            %dma_wait3A_286 = tpu.memref_slice %arg8[%dma_wait3A_284, %dma_wait3A_285] : memref<10000x128xf32, #tpu.memory_space<vmem_shared>> -> memref<10000x128xf32, #tpu.memory_space<vmem_shared>>
            %dma_wait3A_287 = tpu.memref_slice %arg24[%dma_wait3A_283] : memref<4x!tpu.dma_semaphore, #tpu.memory_space<semaphore_mem>> -> memref<1x!tpu.dma_semaphore, #tpu.memory_space<semaphore_mem>>
            %dma_wait3A_288 = tpu.memref_squeeze %dma_wait3A_287 : memref<1x!tpu.dma_semaphore, #tpu.memory_space<semaphore_mem>> -> memref<!tpu.dma_semaphore, #tpu.memory_space<semaphore_mem>>
            tpu.wait_indirect_dma semaphore(%dma_wait3A_288 : memref<!tpu.dma_semaphore, #tpu.memory_space<semaphore_mem>>) src(%arg16 : memref<80x128xf32, #tpu.memory_space<vmem>>) dst(%dma_wait3A_286 : memref<10000x128xf32, #tpu.memory_space<vmem_shared>>)
          } else {
          }
          %mul3A_267 = arith.constant 80 : i32
          %mul3A_268 = arith.muli %add3A_262, %mul3A_267 : i32
          %add3A_269 = arith.addi %mul3A_0, %mul3A_268 : i32
          %dma_start3A_270 = arith.constant 0 : i32
          %dma_start3A_271 = tpu.memref_slice %arg2[%add3A_269] : memref<160000xi32, #tpu.memory_space<hbm>> -> memref<80xi32, #tpu.memory_space<hbm>>
          %dma_start3A_272 = tpu.memref_slice %arg14[%dma_start3A_270] : memref<4x!tpu.dma_semaphore, #tpu.memory_space<semaphore_mem>> -> memref<1x!tpu.dma_semaphore, #tpu.memory_space<semaphore_mem>>
          %dma_start3A_273 = tpu.memref_squeeze %dma_start3A_272 : memref<1x!tpu.dma_semaphore, #tpu.memory_space<semaphore_mem>> -> memref<!tpu.dma_semaphore, #tpu.memory_space<semaphore_mem>>
          %dma_start3A_274 = tpu.memref_slice %arg2[%add3A_269] : memref<160000xi32, #tpu.memory_space<hbm>> -> memref<80xi32, #tpu.memory_space<hbm>>
          tpu.enqueue_dma source(%dma_start3A_274 : memref<80xi32, #tpu.memory_space<hbm>>) target(%arg20 : memref<80xi32, #tpu.memory_space<vmem>>) target_semaphore(%dma_start3A_273 : memref<!tpu.dma_semaphore, #tpu.memory_space<semaphore_mem>>)
          %mul3A_275 = arith.constant 80 : i32
          %mul3A_276 = arith.muli %add3A_262, %mul3A_275 : i32
          %add3A_277 = arith.addi %mul3A_0, %mul3A_276 : i32
          %dma_start3A_278 = arith.constant 0 : i32
          %dma_start3A_279 = tpu.memref_slice %arg3[%add3A_277] : memref<160000xi32, #tpu.memory_space<hbm>> -> memref<80xi32, #tpu.memory_space<hbm>>
          %dma_start3A_280 = tpu.memref_slice %arg15[%dma_start3A_278] : memref<4x!tpu.dma_semaphore, #tpu.memory_space<semaphore_mem>> -> memref<1x!tpu.dma_semaphore, #tpu.memory_space<semaphore_mem>>
          %dma_start3A_281 = tpu.memref_squeeze %dma_start3A_280 : memref<1x!tpu.dma_semaphore, #tpu.memory_space<semaphore_mem>> -> memref<!tpu.dma_semaphore, #tpu.memory_space<semaphore_mem>>
          %dma_start3A_282 = tpu.memref_slice %arg3[%add3A_277] : memref<160000xi32, #tpu.memory_space<hbm>> -> memref<80xi32, #tpu.memory_space<hbm>>
          tpu.enqueue_dma source(%dma_start3A_282 : memref<80xi32, #tpu.memory_space<hbm>>) target(%arg9 : memref<80xi32, #tpu.memory_space<vmem>>) target_semaphore(%dma_start3A_281 : memref<!tpu.dma_semaphore, #tpu.memory_space<semaphore_mem>>)
        } else {
        }
        %dma_wait3A_196 = arith.constant 3 : i32
        %dma_wait3A_197 = tpu.memref_slice %arg2[%mul3A_0] : memref<160000xi32, #tpu.memory_space<hbm>> -> memref<80xi32, #tpu.memory_space<hbm>>
        %dma_wait3A_198 = tpu.memref_slice %arg14[%dma_wait3A_196] : memref<4x!tpu.dma_semaphore, #tpu.memory_space<semaphore_mem>> -> memref<1x!tpu.dma_semaphore, #tpu.memory_space<semaphore_mem>>
        %dma_wait3A_199 = tpu.memref_squeeze %dma_wait3A_198 : memref<1x!tpu.dma_semaphore, #tpu.memory_space<semaphore_mem>> -> memref<!tpu.dma_semaphore, #tpu.memory_space<semaphore_mem>>
        %dma_wait3A_200 = tpu.memref_slice %arg2[%mul3A_0] : memref<160000xi32, #tpu.memory_space<hbm>> -> memref<80xi32, #tpu.memory_space<hbm>>
        tpu.wait_dma2 semaphore(%dma_wait3A_199 : memref<!tpu.dma_semaphore, #tpu.memory_space<semaphore_mem>>) src(%dma_wait3A_200 : memref<80xi32, #tpu.memory_space<hbm>>) dst(%arg23 : memref<80xi32, #tpu.memory_space<vmem>>)
        %dma_start3A_201 = arith.constant 3 : i32
        %dma_start3A_202 = arith.constant 0 : i32
        %dma_start3A_203 = arith.constant 0 : i32
        %dma_start3A_204 = tpu.memref_slice %arg5[%dma_start3A_202, %dma_start3A_203] : memref<10000x128xf32, #tpu.memory_space<hbm>> -> memref<10000x128xf32, #tpu.memory_space<hbm>>
        %dma_start3A_205 = tpu.memref_slice %arg13[%dma_start3A_201] : memref<4x!tpu.dma_semaphore, #tpu.memory_space<semaphore_mem>> -> memref<1x!tpu.dma_semaphore, #tpu.memory_space<semaphore_mem>>
        %dma_start3A_206 = tpu.memref_squeeze %dma_start3A_205 : memref<1x!tpu.dma_semaphore, #tpu.memory_space<semaphore_mem>> -> memref<!tpu.dma_semaphore, #tpu.memory_space<semaphore_mem>>
        tpu.enqueue_indirect_dma source(%dma_start3A_204 : memref<10000x128xf32, #tpu.memory_space<hbm>>) target(%arg19 : memref<80x128xf32, #tpu.memory_space<vmem>>) offsets(%arg23 : memref<80xi32, #tpu.memory_space<vmem>>) semaphore(%dma_start3A_206 : memref<!tpu.dma_semaphore, #tpu.memory_space<semaphore_mem>>)
        %dma_wait3A_207 = arith.constant 2 : i32
        %dma_wait3A_208 = tpu.memref_slice %arg3[%mul3A_0] : memref<160000xi32, #tpu.memory_space<hbm>> -> memref<80xi32, #tpu.memory_space<hbm>>
        %dma_wait3A_209 = tpu.memref_slice %arg15[%dma_wait3A_207] : memref<4x!tpu.dma_semaphore, #tpu.memory_space<semaphore_mem>> -> memref<1x!tpu.dma_semaphore, #tpu.memory_space<semaphore_mem>>
        %dma_wait3A_210 = tpu.memref_squeeze %dma_wait3A_209 : memref<1x!tpu.dma_semaphore, #tpu.memory_space<semaphore_mem>> -> memref<!tpu.dma_semaphore, #tpu.memory_space<semaphore_mem>>
        %dma_wait3A_211 = tpu.memref_slice %arg3[%mul3A_0] : memref<160000xi32, #tpu.memory_space<hbm>> -> memref<80xi32, #tpu.memory_space<hbm>>
        tpu.wait_dma2 semaphore(%dma_wait3A_210 : memref<!tpu.dma_semaphore, #tpu.memory_space<semaphore_mem>>) src(%dma_wait3A_211 : memref<80xi32, #tpu.memory_space<hbm>>) dst(%arg11 : memref<80xi32, #tpu.memory_space<vmem>>)
        %dma_wait3A_212 = arith.constant 2 : i32
        %dma_wait3A_213 = arith.constant 0 : i32
        %dma_wait3A_214 = arith.constant 0 : i32
        %dma_wait3A_215 = tpu.memref_slice %arg5[%dma_wait3A_213, %dma_wait3A_214] : memref<10000x128xf32, #tpu.memory_space<hbm>> -> memref<10000x128xf32, #tpu.memory_space<hbm>>
        %dma_wait3A_216 = tpu.memref_slice %arg13[%dma_wait3A_212] : memref<4x!tpu.dma_semaphore, #tpu.memory_space<semaphore_mem>> -> memref<1x!tpu.dma_semaphore, #tpu.memory_space<semaphore_mem>>
        %dma_wait3A_217 = tpu.memref_squeeze %dma_wait3A_216 : memref<1x!tpu.dma_semaphore, #tpu.memory_space<semaphore_mem>> -> memref<!tpu.dma_semaphore, #tpu.memory_space<semaphore_mem>>
        tpu.wait_indirect_dma semaphore(%dma_wait3A_217 : memref<!tpu.dma_semaphore, #tpu.memory_space<semaphore_mem>>) src(%dma_wait3A_215 : memref<10000x128xf32, #tpu.memory_space<hbm>>) dst(%arg18 : memref<80x128xf32, #tpu.memory_space<vmem>>)
        %dma_start3A_218 = arith.constant 2 : i32
        %dma_start3A_219 = arith.constant 0 : i32
        %dma_start3A_220 = arith.constant 0 : i32
        %dma_start3A_221 = tpu.memref_slice %arg8[%dma_start3A_219, %dma_start3A_220] : memref<10000x128xf32, #tpu.memory_space<vmem_shared>> -> memref<10000x128xf32, #tpu.memory_space<vmem_shared>>
        %dma_start3A_222 = tpu.memref_slice %arg24[%dma_start3A_218] : memref<4x!tpu.dma_semaphore, #tpu.memory_space<semaphore_mem>> -> memref<1x!tpu.dma_semaphore, #tpu.memory_space<semaphore_mem>>
        %dma_start3A_223 = tpu.memref_squeeze %dma_start3A_222 : memref<1x!tpu.dma_semaphore, #tpu.memory_space<semaphore_mem>> -> memref<!tpu.dma_semaphore, #tpu.memory_space<semaphore_mem>>
        tpu.enqueue_indirect_dma source(%arg18 : memref<80x128xf32, #tpu.memory_space<vmem>>) target(%dma_start3A_221 : memref<10000x128xf32, #tpu.memory_space<vmem_shared>>) offsets(%arg11 : memref<80xi32, #tpu.memory_space<vmem>>) semaphore(%dma_start3A_223 : memref<!tpu.dma_semaphore, #tpu.memory_space<semaphore_mem>>) {add = true}
        %add3A_224 = arith.constant 3 : i32
        %add3A_225 = arith.addi %mul3A_112, %add3A_224 : i32
        %add3A_226 = arith.constant 2 : i32
        %add3A_227 = arith.addi %add3A_225, %add3A_226 : i32
        %lt3A_228 = arith.constant 125 : i32
        %lt3A_229 = arith.cmpi slt, %add3A_227, %lt3A_228 : i32
        %convert_element_type3A_230 = arith.extui %lt3A_229 : i1 to i32
        %cond3A_231 = arith.constant 0 : i32
        %cond3A_232 = arith.cmpi ne, %convert_element_type3A_230, %cond3A_231 : i32
        scf.if %cond3A_232 {
          %add3A_261 = arith.constant 2 : i32
          %add3A_262 = arith.addi %add3A_225, %add3A_261 : i32
          %ge3A = arith.constant 4 : i32
          %ge3A_263 = arith.cmpi sge, %add3A_262, %ge3A : i32
          %convert_element_type3A_264 = arith.extui %ge3A_263 : i1 to i32
          %cond3A_265 = arith.constant 0 : i32
          %cond3A_266 = arith.cmpi ne, %convert_element_type3A_264, %cond3A_265 : i32
          scf.if %cond3A_266 {
            %dma_wait3A_283 = arith.constant 1 : i32
            %dma_wait3A_284 = arith.constant 0 : i32
            %dma_wait3A_285 = arith.constant 0 : i32
            %dma_wait3A_286 = tpu.memref_slice %arg8[%dma_wait3A_284, %dma_wait3A_285] : memref<10000x128xf32, #tpu.memory_space<vmem_shared>> -> memref<10000x128xf32, #tpu.memory_space<vmem_shared>>
            %dma_wait3A_287 = tpu.memref_slice %arg24[%dma_wait3A_283] : memref<4x!tpu.dma_semaphore, #tpu.memory_space<semaphore_mem>> -> memref<1x!tpu.dma_semaphore, #tpu.memory_space<semaphore_mem>>
            %dma_wait3A_288 = tpu.memref_squeeze %dma_wait3A_287 : memref<1x!tpu.dma_semaphore, #tpu.memory_space<semaphore_mem>> -> memref<!tpu.dma_semaphore, #tpu.memory_space<semaphore_mem>>
            tpu.wait_indirect_dma semaphore(%dma_wait3A_288 : memref<!tpu.dma_semaphore, #tpu.memory_space<semaphore_mem>>) src(%arg17 : memref<80x128xf32, #tpu.memory_space<vmem>>) dst(%dma_wait3A_286 : memref<10000x128xf32, #tpu.memory_space<vmem_shared>>)
          } else {
          }
          %mul3A_267 = arith.constant 80 : i32
          %mul3A_268 = arith.muli %add3A_262, %mul3A_267 : i32
          %add3A_269 = arith.addi %mul3A_0, %mul3A_268 : i32
          %dma_start3A_270 = arith.constant 1 : i32
          %dma_start3A_271 = tpu.memref_slice %arg2[%add3A_269] : memref<160000xi32, #tpu.memory_space<hbm>> -> memref<80xi32, #tpu.memory_space<hbm>>
          %dma_start3A_272 = tpu.memref_slice %arg14[%dma_start3A_270] : memref<4x!tpu.dma_semaphore, #tpu.memory_space<semaphore_mem>> -> memref<1x!tpu.dma_semaphore, #tpu.memory_space<semaphore_mem>>
          %dma_start3A_273 = tpu.memref_squeeze %dma_start3A_272 : memref<1x!tpu.dma_semaphore, #tpu.memory_space<semaphore_mem>> -> memref<!tpu.dma_semaphore, #tpu.memory_space<semaphore_mem>>
          %dma_start3A_274 = tpu.memref_slice %arg2[%add3A_269] : memref<160000xi32, #tpu.memory_space<hbm>> -> memref<80xi32, #tpu.memory_space<hbm>>
          tpu.enqueue_dma source(%dma_start3A_274 : memref<80xi32, #tpu.memory_space<hbm>>) target(%arg21 : memref<80xi32, #tpu.memory_space<vmem>>) target_semaphore(%dma_start3A_273 : memref<!tpu.dma_semaphore, #tpu.memory_space<semaphore_mem>>)
          %mul3A_275 = arith.constant 80 : i32
          %mul3A_276 = arith.muli %add3A_262, %mul3A_275 : i32
          %add3A_277 = arith.addi %mul3A_0, %mul3A_276 : i32
          %dma_start3A_278 = arith.constant 1 : i32
          %dma_start3A_279 = tpu.memref_slice %arg3[%add3A_277] : memref<160000xi32, #tpu.memory_space<hbm>> -> memref<80xi32, #tpu.memory_space<hbm>>
          %dma_start3A_280 = tpu.memref_slice %arg15[%dma_start3A_278] : memref<4x!tpu.dma_semaphore, #tpu.memory_space<semaphore_mem>> -> memref<1x!tpu.dma_semaphore, #tpu.memory_space<semaphore_mem>>
          %dma_start3A_281 = tpu.memref_squeeze %dma_start3A_280 : memref<1x!tpu.dma_semaphore, #tpu.memory_space<semaphore_mem>> -> memref<!tpu.dma_semaphore, #tpu.memory_space<semaphore_mem>>
          %dma_start3A_282 = tpu.memref_slice %arg3[%add3A_277] : memref<160000xi32, #tpu.memory_space<hbm>> -> memref<80xi32, #tpu.memory_space<hbm>>
          tpu.enqueue_dma source(%dma_start3A_282 : memref<80xi32, #tpu.memory_space<hbm>>) target(%arg10 : memref<80xi32, #tpu.memory_space<vmem>>) target_semaphore(%dma_start3A_281 : memref<!tpu.dma_semaphore, #tpu.memory_space<semaphore_mem>>)
        } else {
        }
        %dma_wait3A_233 = arith.constant 0 : i32
        %dma_wait3A_234 = tpu.memref_slice %arg2[%mul3A_0] : memref<160000xi32, #tpu.memory_space<hbm>> -> memref<80xi32, #tpu.memory_space<hbm>>
        %dma_wait3A_235 = tpu.memref_slice %arg14[%dma_wait3A_233] : memref<4x!tpu.dma_semaphore, #tpu.memory_space<semaphore_mem>> -> memref<1x!tpu.dma_semaphore, #tpu.memory_space<semaphore_mem>>
        %dma_wait3A_236 = tpu.memref_squeeze %dma_wait3A_235 : memref<1x!tpu.dma_semaphore, #tpu.memory_space<semaphore_mem>> -> memref<!tpu.dma_semaphore, #tpu.memory_space<semaphore_mem>>
        %dma_wait3A_237 = tpu.memref_slice %arg2[%mul3A_0] : memref<160000xi32, #tpu.memory_space<hbm>> -> memref<80xi32, #tpu.memory_space<hbm>>
        tpu.wait_dma2 semaphore(%dma_wait3A_236 : memref<!tpu.dma_semaphore, #tpu.memory_space<semaphore_mem>>) src(%dma_wait3A_237 : memref<80xi32, #tpu.memory_space<hbm>>) dst(%arg20 : memref<80xi32, #tpu.memory_space<vmem>>)
        %dma_start3A_238 = arith.constant 0 : i32
        %dma_start3A_239 = arith.constant 0 : i32
        %dma_start3A_240 = arith.constant 0 : i32
        %dma_start3A_241 = tpu.memref_slice %arg5[%dma_start3A_239, %dma_start3A_240] : memref<10000x128xf32, #tpu.memory_space<hbm>> -> memref<10000x128xf32, #tpu.memory_space<hbm>>
        %dma_start3A_242 = tpu.memref_slice %arg13[%dma_start3A_238] : memref<4x!tpu.dma_semaphore, #tpu.memory_space<semaphore_mem>> -> memref<1x!tpu.dma_semaphore, #tpu.memory_space<semaphore_mem>>
        %dma_start3A_243 = tpu.memref_squeeze %dma_start3A_242 : memref<1x!tpu.dma_semaphore, #tpu.memory_space<semaphore_mem>> -> memref<!tpu.dma_semaphore, #tpu.memory_space<semaphore_mem>>
        tpu.enqueue_indirect_dma source(%dma_start3A_241 : memref<10000x128xf32, #tpu.memory_space<hbm>>) target(%arg16 : memref<80x128xf32, #tpu.memory_space<vmem>>) offsets(%arg20 : memref<80xi32, #tpu.memory_space<vmem>>) semaphore(%dma_start3A_243 : memref<!tpu.dma_semaphore, #tpu.memory_space<semaphore_mem>>)
        %dma_wait3A_244 = arith.constant 3 : i32
        %dma_wait3A_245 = tpu.memref_slice %arg3[%mul3A_0] : memref<160000xi32, #tpu.memory_space<hbm>> -> memref<80xi32, #tpu.memory_space<hbm>>
        %dma_wait3A_246 = tpu.memref_slice %arg15[%dma_wait3A_244] : memref<4x!tpu.dma_semaphore, #tpu.memory_space<semaphore_mem>> -> memref<1x!tpu.dma_semaphore, #tpu.memory_space<semaphore_mem>>
        %dma_wait3A_247 = tpu.memref_squeeze %dma_wait3A_246 : memref<1x!tpu.dma_semaphore, #tpu.memory_space<semaphore_mem>> -> memref<!tpu.dma_semaphore, #tpu.memory_space<semaphore_mem>>
        %dma_wait3A_248 = tpu.memref_slice %arg3[%mul3A_0] : memref<160000xi32, #tpu.memory_space<hbm>> -> memref<80xi32, #tpu.memory_space<hbm>>
        tpu.wait_dma2 semaphore(%dma_wait3A_247 : memref<!tpu.dma_semaphore, #tpu.memory_space<semaphore_mem>>) src(%dma_wait3A_248 : memref<80xi32, #tpu.memory_space<hbm>>) dst(%arg12 : memref<80xi32, #tpu.memory_space<vmem>>)
        %dma_wait3A_249 = arith.constant 3 : i32
        %dma_wait3A_250 = arith.constant 0 : i32
        %dma_wait3A_251 = arith.constant 0 : i32
        %dma_wait3A_252 = tpu.memref_slice %arg5[%dma_wait3A_250, %dma_wait3A_251] : memref<10000x128xf32, #tpu.memory_space<hbm>> -> memref<10000x128xf32, #tpu.memory_space<hbm>>
        %dma_wait3A_253 = tpu.memref_slice %arg13[%dma_wait3A_249] : memref<4x!tpu.dma_semaphore, #tpu.memory_space<semaphore_mem>> -> memref<1x!tpu.dma_semaphore, #tpu.memory_space<semaphore_mem>>
        %dma_wait3A_254 = tpu.memref_squeeze %dma_wait3A_253 : memref<1x!tpu.dma_semaphore, #tpu.memory_space<semaphore_mem>> -> memref<!tpu.dma_semaphore, #tpu.memory_space<semaphore_mem>>
        tpu.wait_indirect_dma semaphore(%dma_wait3A_254 : memref<!tpu.dma_semaphore, #tpu.memory_space<semaphore_mem>>) src(%dma_wait3A_252 : memref<10000x128xf32, #tpu.memory_space<hbm>>) dst(%arg19 : memref<80x128xf32, #tpu.memory_space<vmem>>)
        %dma_start3A_255 = arith.constant 3 : i32
        %dma_start3A_256 = arith.constant 0 : i32
        %dma_start3A_257 = arith.constant 0 : i32
        %dma_start3A_258 = tpu.memref_slice %arg8[%dma_start3A_256, %dma_start3A_257] : memref<10000x128xf32, #tpu.memory_space<vmem_shared>> -> memref<10000x128xf32, #tpu.memory_space<vmem_shared>>
        %dma_start3A_259 = tpu.memref_slice %arg24[%dma_start3A_255] : memref<4x!tpu.dma_semaphore, #tpu.memory_space<semaphore_mem>> -> memref<1x!tpu.dma_semaphore, #tpu.memory_space<semaphore_mem>>
        %dma_start3A_260 = tpu.memref_squeeze %dma_start3A_259 : memref<1x!tpu.dma_semaphore, #tpu.memory_space<semaphore_mem>> -> memref<!tpu.dma_semaphore, #tpu.memory_space<semaphore_mem>>
        tpu.enqueue_indirect_dma source(%arg19 : memref<80x128xf32, #tpu.memory_space<vmem>>) target(%dma_start3A_258 : memref<10000x128xf32, #tpu.memory_space<vmem_shared>>) offsets(%arg12 : memref<80xi32, #tpu.memory_space<vmem>>) semaphore(%dma_start3A_260 : memref<!tpu.dma_semaphore, #tpu.memory_space<semaphore_mem>>) {add = true}
      }
      %scan3A_68 = arith.constant 31 : i32
      %dma_wait3A_69 = arith.constant 0 : i32
      %dma_wait3A_70 = tpu.memref_slice %arg3[%mul3A_0] : memref<160000xi32, #tpu.memory_space<hbm>> -> memref<80xi32, #tpu.memory_space<hbm>>
      %dma_wait3A_71 = tpu.memref_slice %arg15[%dma_wait3A_69] : memref<4x!tpu.dma_semaphore, #tpu.memory_space<semaphore_mem>> -> memref<1x!tpu.dma_semaphore, #tpu.memory_space<semaphore_mem>>
      %dma_wait3A_72 = tpu.memref_squeeze %dma_wait3A_71 : memref<1x!tpu.dma_semaphore, #tpu.memory_space<semaphore_mem>> -> memref<!tpu.dma_semaphore, #tpu.memory_space<semaphore_mem>>
      %dma_wait3A_73 = tpu.memref_slice %arg3[%mul3A_0] : memref<160000xi32, #tpu.memory_space<hbm>> -> memref<80xi32, #tpu.memory_space<hbm>>
      tpu.wait_dma2 semaphore(%dma_wait3A_72 : memref<!tpu.dma_semaphore, #tpu.memory_space<semaphore_mem>>) src(%dma_wait3A_73 : memref<80xi32, #tpu.memory_space<hbm>>) dst(%arg9 : memref<80xi32, #tpu.memory_space<vmem>>)
      %dma_wait3A_74 = arith.constant 0 : i32
      %dma_wait3A_75 = arith.constant 0 : i32
      %dma_wait3A_76 = arith.constant 0 : i32
      %dma_wait3A_77 = tpu.memref_slice %arg5[%dma_wait3A_75, %dma_wait3A_76] : memref<10000x128xf32, #tpu.memory_space<hbm>> -> memref<10000x128xf32, #tpu.memory_space<hbm>>
      %dma_wait3A_78 = tpu.memref_slice %arg13[%dma_wait3A_74] : memref<4x!tpu.dma_semaphore, #tpu.memory_space<semaphore_mem>> -> memref<1x!tpu.dma_semaphore, #tpu.memory_space<semaphore_mem>>
      %dma_wait3A_79 = tpu.memref_squeeze %dma_wait3A_78 : memref<1x!tpu.dma_semaphore, #tpu.memory_space<semaphore_mem>> -> memref<!tpu.dma_semaphore, #tpu.memory_space<semaphore_mem>>
      tpu.wait_indirect_dma semaphore(%dma_wait3A_79 : memref<!tpu.dma_semaphore, #tpu.memory_space<semaphore_mem>>) src(%dma_wait3A_77 : memref<10000x128xf32, #tpu.memory_space<hbm>>) dst(%arg16 : memref<80x128xf32, #tpu.memory_space<vmem>>)
      %dma_start3A_80 = arith.constant 0 : i32
      %dma_start3A_81 = arith.constant 0 : i32
      %dma_start3A_82 = arith.constant 0 : i32
      %dma_start3A_83 = tpu.memref_slice %arg8[%dma_start3A_81, %dma_start3A_82] : memref<10000x128xf32, #tpu.memory_space<vmem_shared>> -> memref<10000x128xf32, #tpu.memory_space<vmem_shared>>
      %dma_start3A_84 = tpu.memref_slice %arg24[%dma_start3A_80] : memref<4x!tpu.dma_semaphore, #tpu.memory_space<semaphore_mem>> -> memref<1x!tpu.dma_semaphore, #tpu.memory_space<semaphore_mem>>
      %dma_start3A_85 = tpu.memref_squeeze %dma_start3A_84 : memref<1x!tpu.dma_semaphore, #tpu.memory_space<semaphore_mem>> -> memref<!tpu.dma_semaphore, #tpu.memory_space<semaphore_mem>>
      tpu.enqueue_indirect_dma source(%arg16 : memref<80x128xf32, #tpu.memory_space<vmem>>) target(%dma_start3A_83 : memref<10000x128xf32, #tpu.memory_space<vmem_shared>>) offsets(%arg9 : memref<80xi32, #tpu.memory_space<vmem>>) semaphore(%dma_start3A_85 : memref<!tpu.dma_semaphore, #tpu.memory_space<semaphore_mem>>) {add = true}
      %dma_wait3A_86 = arith.constant 0 : i32
      %dma_wait3A_87 = arith.constant 0 : i32
      %dma_wait3A_88 = arith.constant 0 : i32
      %dma_wait3A_89 = tpu.memref_slice %arg8[%dma_wait3A_87, %dma_wait3A_88] : memref<10000x128xf32, #tpu.memory_space<vmem_shared>> -> memref<10000x128xf32, #tpu.memory_space<vmem_shared>>
      %dma_wait3A_90 = tpu.memref_slice %arg24[%dma_wait3A_86] : memref<4x!tpu.dma_semaphore, #tpu.memory_space<semaphore_mem>> -> memref<1x!tpu.dma_semaphore, #tpu.memory_space<semaphore_mem>>
      %dma_wait3A_91 = tpu.memref_squeeze %dma_wait3A_90 : memref<1x!tpu.dma_semaphore, #tpu.memory_space<semaphore_mem>> -> memref<!tpu.dma_semaphore, #tpu.memory_space<semaphore_mem>>
      tpu.wait_indirect_dma semaphore(%dma_wait3A_91 : memref<!tpu.dma_semaphore, #tpu.memory_space<semaphore_mem>>) src(%arg16 : memref<80x128xf32, #tpu.memory_space<vmem>>) dst(%dma_wait3A_89 : memref<10000x128xf32, #tpu.memory_space<vmem_shared>>)
      %dma_wait3A_92 = arith.constant 1 : i32
      %dma_wait3A_93 = arith.constant 0 : i32
      %dma_wait3A_94 = arith.constant 0 : i32
      %dma_wait3A_95 = tpu.memref_slice %arg8[%dma_wait3A_93, %dma_wait3A_94] : memref<10000x128xf32, #tpu.memory_space<vmem_shared>> -> memref<10000x128xf32, #tpu.memory_space<vmem_shared>>
      %dma_wait3A_96 = tpu.memref_slice %arg24[%dma_wait3A_92] : memref<4x!tpu.dma_semaphore, #tpu.memory_space<semaphore_mem>> -> memref<1x!tpu.dma_semaphore, #tpu.memory_space<semaphore_mem>>
      %dma_wait3A_97 = tpu.memref_squeeze %dma_wait3A_96 : memref<1x!tpu.dma_semaphore, #tpu.memory_space<semaphore_mem>> -> memref<!tpu.dma_semaphore, #tpu.memory_space<semaphore_mem>>
      tpu.wait_indirect_dma semaphore(%dma_wait3A_97 : memref<!tpu.dma_semaphore, #tpu.memory_space<semaphore_mem>>) src(%arg17 : memref<80x128xf32, #tpu.memory_space<vmem>>) dst(%dma_wait3A_95 : memref<10000x128xf32, #tpu.memory_space<vmem_shared>>)
      %dma_wait3A_98 = arith.constant 2 : i32
      %dma_wait3A_99 = arith.constant 0 : i32
      %dma_wait3A_100 = arith.constant 0 : i32
      %dma_wait3A_101 = tpu.memref_slice %arg8[%dma_wait3A_99, %dma_wait3A_100] : memref<10000x128xf32, #tpu.memory_space<vmem_shared>> -> memref<10000x128xf32, #tpu.memory_space<vmem_shared>>
      %dma_wait3A_102 = tpu.memref_slice %arg24[%dma_wait3A_98] : memref<4x!tpu.dma_semaphore, #tpu.memory_space<semaphore_mem>> -> memref<1x!tpu.dma_semaphore, #tpu.memory_space<semaphore_mem>>
      %dma_wait3A_103 = tpu.memref_squeeze %dma_wait3A_102 : memref<1x!tpu.dma_semaphore, #tpu.memory_space<semaphore_mem>> -> memref<!tpu.dma_semaphore, #tpu.memory_space<semaphore_mem>>
      tpu.wait_indirect_dma semaphore(%dma_wait3A_103 : memref<!tpu.dma_semaphore, #tpu.memory_space<semaphore_mem>>) src(%arg18 : memref<80x128xf32, #tpu.memory_space<vmem>>) dst(%dma_wait3A_101 : memref<10000x128xf32, #tpu.memory_space<vmem_shared>>)
      %dma_wait3A_104 = arith.constant 3 : i32
      %dma_wait3A_105 = arith.constant 0 : i32
      %dma_wait3A_106 = arith.constant 0 : i32
      %dma_wait3A_107 = tpu.memref_slice %arg8[%dma_wait3A_105, %dma_wait3A_106] : memref<10000x128xf32, #tpu.memory_space<vmem_shared>> -> memref<10000x128xf32, #tpu.memory_space<vmem_shared>>
      %dma_wait3A_108 = tpu.memref_slice %arg24[%dma_wait3A_104] : memref<4x!tpu.dma_semaphore, #tpu.memory_space<semaphore_mem>> -> memref<1x!tpu.dma_semaphore, #tpu.memory_space<semaphore_mem>>
      %dma_wait3A_109 = tpu.memref_squeeze %dma_wait3A_108 : memref<1x!tpu.dma_semaphore, #tpu.memory_space<semaphore_mem>> -> memref<!tpu.dma_semaphore, #tpu.memory_space<semaphore_mem>>
      tpu.wait_indirect_dma semaphore(%dma_wait3A_109 : memref<!tpu.dma_semaphore, #tpu.memory_space<semaphore_mem>>) src(%arg19 : memref<80x128xf32, #tpu.memory_space<vmem>>) dst(%dma_wait3A_107 : memref<10000x128xf32, #tpu.memory_space<vmem_shared>>)
    } else {
    }
    %barrier3A = arith.constant 0 : index
    tpu.barrier barrier_id(%barrier3A)
    %eq3A_8 = arith.constant 0 : i32
    %eq3A_9 = arith.cmpi eq, %arg0, %eq3A_8 : i32
    %convert_element_type3A_10 = arith.extui %eq3A_9 : i1 to i32
    %cond3A_11 = arith.constant 0 : i32
    %cond3A_12 = arith.cmpi ne, %convert_element_type3A_10, %cond3A_11 : i32
    scf.if %cond3A_12 {
      %lt3A = arith.constant 15 : i32
      %lt3A_18 = arith.cmpi slt, %arg1, %lt3A : i32
      %convert_element_type3A_19 = arith.extui %lt3A_18 : i1 to i32
      %cond3A_20 = arith.constant 0 : i32
      %cond3A_21 = arith.cmpi ne, %convert_element_type3A_19, %cond3A_20 : i32
      scf.if %cond3A_21 {
        %mul3A_27 = arith.constant 624 : i32
        %mul3A_28 = arith.muli %arg1, %mul3A_27 : i32
        %mul3A_29 = arith.constant 624 : i32
        %mul3A_30 = arith.muli %arg1, %mul3A_29 : i32
        "tpu.region"() ({
          %run_scoped3A = tpu.sem_alloc : memref<!tpu.dma_semaphore, #tpu.memory_space<semaphore_mem>>
          %dma_start3A = arith.constant 0 : i32
          %dma_start3A_31 = tpu.memref_slice %arg6[%mul3A_30, %dma_start3A] : memref<10000x128xf32, #tpu.memory_space<hbm>> -> memref<624x128xf32, #tpu.memory_space<hbm>>
          %dma_start3A_32 = arith.constant 0 : i32
          %dma_start3A_33 = tpu.memref_slice %arg8[%mul3A_28, %dma_start3A_32] : memref<10000x128xf32, #tpu.memory_space<vmem_shared>> -> memref<624x128xf32, #tpu.memory_space<vmem_shared>>
          tpu.enqueue_dma source(%dma_start3A_33 : memref<624x128xf32, #tpu.memory_space<vmem_shared>>) target(%dma_start3A_31 : memref<624x128xf32, #tpu.memory_space<hbm>>) target_semaphore(%run_scoped3A : memref<!tpu.dma_semaphore, #tpu.memory_space<semaphore_mem>>)
          %dma_wait3A = arith.constant 0 : i32
          %dma_wait3A_34 = tpu.memref_slice %arg6[%mul3A_30, %dma_wait3A] : memref<10000x128xf32, #tpu.memory_space<hbm>> -> memref<624x128xf32, #tpu.memory_space<hbm>>
          %dma_wait3A_35 = arith.constant 0 : i32
          %dma_wait3A_36 = tpu.memref_slice %arg8[%mul3A_28, %dma_wait3A_35] : memref<10000x128xf32, #tpu.memory_space<vmem_shared>> -> memref<624x128xf32, #tpu.memory_space<vmem_shared>>
          tpu.wait_dma2 semaphore(%run_scoped3A : memref<!tpu.dma_semaphore, #tpu.memory_space<semaphore_mem>>) src(%dma_wait3A_36 : memref<624x128xf32, #tpu.memory_space<vmem_shared>>) dst(%dma_wait3A_34 : memref<624x128xf32, #tpu.memory_space<hbm>>)
          tpu.yield
        }) : () -> ()
      } else {
      }
      %eq3A_22 = arith.constant 15 : i32
      %eq3A_23 = arith.cmpi eq, %arg1, %eq3A_22 : i32
      %convert_element_type3A_24 = arith.extui %eq3A_23 : i1 to i32
      %cond3A_25 = arith.constant 0 : i32
      %cond3A_26 = arith.cmpi ne, %convert_element_type3A_24, %cond3A_25 : i32
      scf.if %cond3A_26 {
        "tpu.region"() ({
          %run_scoped3A = tpu.sem_alloc : memref<!tpu.dma_semaphore, #tpu.memory_space<semaphore_mem>>
          %dma_start3A = arith.constant 9360 : i32
          %dma_start3A_27 = arith.constant 0 : i32
          %dma_start3A_28 = tpu.memref_slice %arg6[%dma_start3A, %dma_start3A_27] : memref<10000x128xf32, #tpu.memory_space<hbm>> -> memref<640x128xf32, #tpu.memory_space<hbm>>
          %dma_start3A_29 = arith.constant 9360 : i32
          %dma_start3A_30 = arith.constant 0 : i32
          %dma_start3A_31 = tpu.memref_slice %arg8[%dma_start3A_29, %dma_start3A_30] : memref<10000x128xf32, #tpu.memory_space<vmem_shared>> -> memref<640x128xf32, #tpu.memory_space<vmem_shared>>
          tpu.enqueue_dma source(%dma_start3A_31 : memref<640x128xf32, #tpu.memory_space<vmem_shared>>) target(%dma_start3A_28 : memref<640x128xf32, #tpu.memory_space<hbm>>) target_semaphore(%run_scoped3A : memref<!tpu.dma_semaphore, #tpu.memory_space<semaphore_mem>>)
          %dma_wait3A = arith.constant 9360 : i32
          %dma_wait3A_32 = arith.constant 0 : i32
          %dma_wait3A_33 = tpu.memref_slice %arg6[%dma_wait3A, %dma_wait3A_32] : memref<10000x128xf32, #tpu.memory_space<hbm>> -> memref<640x128xf32, #tpu.memory_space<hbm>>
          %dma_wait3A_34 = arith.constant 9360 : i32
          %dma_wait3A_35 = arith.constant 0 : i32
          %dma_wait3A_36 = tpu.memref_slice %arg8[%dma_wait3A_34, %dma_wait3A_35] : memref<10000x128xf32, #tpu.memory_space<vmem_shared>> -> memref<640x128xf32, #tpu.memory_space<vmem_shared>>
          tpu.wait_dma2 semaphore(%run_scoped3A : memref<!tpu.dma_semaphore, #tpu.memory_space<semaphore_mem>>) src(%dma_wait3A_36 : memref<640x128xf32, #tpu.memory_space<vmem_shared>>) dst(%dma_wait3A_33 : memref<640x128xf32, #tpu.memory_space<hbm>>)
          tpu.yield
        }) : () -> ()
      } else {
      }
    } else {
    }
    %eq3A_13 = arith.constant 1 : i32
    %eq3A_14 = arith.cmpi eq, %arg0, %eq3A_13 : i32
    %convert_element_type3A_15 = arith.extui %eq3A_14 : i1 to i32
    %cond3A_16 = arith.constant 0 : i32
    %cond3A_17 = arith.cmpi ne, %convert_element_type3A_15, %cond3A_16 : i32
    scf.if %cond3A_17 {
      %lt3A = arith.constant 15 : i32
      %lt3A_18 = arith.cmpi slt, %arg1, %lt3A : i32
      %convert_element_type3A_19 = arith.extui %lt3A_18 : i1 to i32
      %cond3A_20 = arith.constant 0 : i32
      %cond3A_21 = arith.cmpi ne, %convert_element_type3A_19, %cond3A_20 : i32
      scf.if %cond3A_21 {
        %mul3A_27 = arith.constant 624 : i32
        %mul3A_28 = arith.muli %arg1, %mul3A_27 : i32
        %mul3A_29 = arith.constant 624 : i32
        %mul3A_30 = arith.muli %arg1, %mul3A_29 : i32
        "tpu.region"() ({
          %run_scoped3A = tpu.sem_alloc : memref<!tpu.dma_semaphore, #tpu.memory_space<semaphore_mem>>
          %dma_start3A = arith.constant 0 : i32
          %dma_start3A_31 = tpu.memref_slice %arg7[%mul3A_30, %dma_start3A] : memref<10000x128xf32, #tpu.memory_space<hbm>> -> memref<624x128xf32, #tpu.memory_space<hbm>>
          %dma_start3A_32 = arith.constant 0 : i32
          %dma_start3A_33 = tpu.memref_slice %arg8[%mul3A_28, %dma_start3A_32] : memref<10000x128xf32, #tpu.memory_space<vmem_shared>> -> memref<624x128xf32, #tpu.memory_space<vmem_shared>>
          tpu.enqueue_dma source(%dma_start3A_33 : memref<624x128xf32, #tpu.memory_space<vmem_shared>>) target(%dma_start3A_31 : memref<624x128xf32, #tpu.memory_space<hbm>>) target_semaphore(%run_scoped3A : memref<!tpu.dma_semaphore, #tpu.memory_space<semaphore_mem>>)
          %dma_wait3A = arith.constant 0 : i32
          %dma_wait3A_34 = tpu.memref_slice %arg7[%mul3A_30, %dma_wait3A] : memref<10000x128xf32, #tpu.memory_space<hbm>> -> memref<624x128xf32, #tpu.memory_space<hbm>>
          %dma_wait3A_35 = arith.constant 0 : i32
          %dma_wait3A_36 = tpu.memref_slice %arg8[%mul3A_28, %dma_wait3A_35] : memref<10000x128xf32, #tpu.memory_space<vmem_shared>> -> memref<624x128xf32, #tpu.memory_space<vmem_shared>>
          tpu.wait_dma2 semaphore(%run_scoped3A : memref<!tpu.dma_semaphore, #tpu.memory_space<semaphore_mem>>) src(%dma_wait3A_36 : memref<624x128xf32, #tpu.memory_space<vmem_shared>>) dst(%dma_wait3A_34 : memref<624x128xf32, #tpu.memory_space<hbm>>)
          tpu.yield
        }) : () -> ()
      } else {
      }
      %eq3A_22 = arith.constant 15 : i32
      %eq3A_23 = arith.cmpi eq, %arg1, %eq3A_22 : i32
      %convert_element_type3A_24 = arith.extui %eq3A_23 : i1 to i32
      %cond3A_25 = arith.constant 0 : i32
      %cond3A_26 = arith.cmpi ne, %convert_element_type3A_24, %cond3A_25 : i32
      scf.if %cond3A_26 {
        "tpu.region"() ({
          %run_scoped3A = tpu.sem_alloc : memref<!tpu.dma_semaphore, #tpu.memory_space<semaphore_mem>>
          %dma_start3A = arith.constant 9360 : i32
          %dma_start3A_27 = arith.constant 0 : i32
          %dma_start3A_28 = tpu.memref_slice %arg7[%dma_start3A, %dma_start3A_27] : memref<10000x128xf32, #tpu.memory_space<hbm>> -> memref<640x128xf32, #tpu.memory_space<hbm>>
          %dma_start3A_29 = arith.constant 9360 : i32
          %dma_start3A_30 = arith.constant 0 : i32
          %dma_start3A_31 = tpu.memref_slice %arg8[%dma_start3A_29, %dma_start3A_30] : memref<10000x128xf32, #tpu.memory_space<vmem_shared>> -> memref<640x128xf32, #tpu.memory_space<vmem_shared>>
          tpu.enqueue_dma source(%dma_start3A_31 : memref<640x128xf32, #tpu.memory_space<vmem_shared>>) target(%dma_start3A_28 : memref<640x128xf32, #tpu.memory_space<hbm>>) target_semaphore(%run_scoped3A : memref<!tpu.dma_semaphore, #tpu.memory_space<semaphore_mem>>)
          %dma_wait3A = arith.constant 9360 : i32
          %dma_wait3A_32 = arith.constant 0 : i32
          %dma_wait3A_33 = tpu.memref_slice %arg7[%dma_wait3A, %dma_wait3A_32] : memref<10000x128xf32, #tpu.memory_space<hbm>> -> memref<640x128xf32, #tpu.memory_space<hbm>>
          %dma_wait3A_34 = arith.constant 9360 : i32
          %dma_wait3A_35 = arith.constant 0 : i32
          %dma_wait3A_36 = tpu.memref_slice %arg8[%dma_wait3A_34, %dma_wait3A_35] : memref<10000x128xf32, #tpu.memory_space<vmem_shared>> -> memref<640x128xf32, #tpu.memory_space<vmem_shared>>
          tpu.wait_dma2 semaphore(%run_scoped3A : memref<!tpu.dma_semaphore, #tpu.memory_space<semaphore_mem>>) src(%dma_wait3A_36 : memref<640x128xf32, #tpu.memory_space<vmem_shared>>) dst(%dma_wait3A_33 : memref<640x128xf32, #tpu.memory_space<hbm>>)
          tpu.yield
        }) : () -> ()
      } else {
      }
    } else {
    }
    return
  }
}

module attributes {stable_mosaic.version = 14 : i64} {
  func.func @_mlp_kernel(%arg0: i32, %arg1: memref<2000x128xf32, #tpu.memory_space<vmem>>, %arg2: memref<2000x128xf32, #tpu.memory_space<vmem>>, %arg3: memref<128x1024xf32, #tpu.memory_space<vmem>>, %arg4: memref<128x1024xf32, #tpu.memory_space<vmem>>, %arg5: memref<1x1024xf32, #tpu.memory_space<vmem>>, %arg6: memref<1024x1024xf32, #tpu.memory_space<vmem>>, %arg7: memref<1x1024xf32, #tpu.memory_space<vmem>>, %arg8: memref<1024x256xf32, #tpu.memory_space<vmem>>, %arg9: memref<1x256xf32, #tpu.memory_space<vmem>>, %arg10: memref<2000x256xf32, #tpu.memory_space<vmem>>) attributes {dimension_semantics = [#tpu.dimension_semantics<arbitrary>], iteration_bounds = array<i64: 5>, scalar_prefetch = 0 : i64, scratch_operands = 0 : i64, tpu.core_type = #tpu.core_type<tc>, window_params = [{transform_indices = @transform_0, window_bounds = array<i64: 2000, 128>}, {transform_indices = @transform_1, window_bounds = array<i64: 2000, 128>}, {pipeline_mode = #tpu.pipeline_mode<synchronous>, transform_indices = @transform_2, window_bounds = array<i64: 128, 1024>}, {pipeline_mode = #tpu.pipeline_mode<synchronous>, transform_indices = @transform_3, window_bounds = array<i64: 128, 1024>}, {pipeline_mode = #tpu.pipeline_mode<synchronous>, transform_indices = @transform_4, window_bounds = array<i64: 1, 1024>}, {pipeline_mode = #tpu.pipeline_mode<synchronous>, transform_indices = @transform_5, window_bounds = array<i64: 1024, 1024>}, {pipeline_mode = #tpu.pipeline_mode<synchronous>, transform_indices = @transform_6, window_bounds = array<i64: 1, 1024>}, {pipeline_mode = #tpu.pipeline_mode<synchronous>, transform_indices = @transform_7, window_bounds = array<i64: 1024, 256>}, {pipeline_mode = #tpu.pipeline_mode<synchronous>, transform_indices = @transform_8, window_bounds = array<i64: 1, 256>}, {transform_indices = @transform_9, window_bounds = array<i64: 2000, 256>}]} {
    %get3A = arith.constant 0 : index
    %get3A_0 = arith.constant 0 : index
    %get3A_1 = vector.load %arg1[%get3A, %get3A_0] : memref<2000x128xf32, #tpu.memory_space<vmem>>, vector<2000x128xf32>
    %get3A_2 = arith.constant 0 : index
    %get3A_3 = arith.constant 0 : index
    %get3A_4 = vector.load %arg3[%get3A_2, %get3A_3] : memref<128x1024xf32, #tpu.memory_space<vmem>>, vector<128x1024xf32>
    %dot_general3A = arith.constant dense<0.000000e+00> : vector<2000x1024xf32>
    %dot_general3A_5 = tpu.matmul %get3A_1, %get3A_4, %dot_general3A {dimension_numbers = #tpu.dot_dimension_numbers<[1], [0], [0], [1], [0, 0, 1, 1], [], []>, transpose_lhs_hint = false} : vector<2000x128xf32>, vector<128x1024xf32>, vector<2000x1024xf32> -> vector<2000x1024xf32>
    %get3A_6 = arith.constant 0 : index
    %get3A_7 = arith.constant 0 : index
    %get3A_8 = vector.load %arg2[%get3A_6, %get3A_7] : memref<2000x128xf32, #tpu.memory_space<vmem>>, vector<2000x128xf32>
    %get3A_9 = arith.constant 0 : index
    %get3A_10 = arith.constant 0 : index
    %get3A_11 = vector.load %arg4[%get3A_9, %get3A_10] : memref<128x1024xf32, #tpu.memory_space<vmem>>, vector<128x1024xf32>
    %dot_general3A_12 = arith.constant dense<0.000000e+00> : vector<2000x1024xf32>
    %dot_general3A_13 = tpu.matmul %get3A_8, %get3A_11, %dot_general3A_12 {dimension_numbers = #tpu.dot_dimension_numbers<[1], [0], [0], [1], [0, 0, 1, 1], [], []>, transpose_lhs_hint = false} : vector<2000x128xf32>, vector<128x1024xf32>, vector<2000x1024xf32> -> vector<2000x1024xf32>
    %add3A = arith.addf %dot_general3A_5, %dot_general3A_13 : vector<2000x1024xf32>
    %get3A_14 = arith.constant 0 : index
    %get3A_15 = arith.constant 0 : index
    %get3A_16 = vector.load %arg5[%get3A_14, %get3A_15] : memref<1x1024xf32, #tpu.memory_space<vmem>>, vector<1x1024xf32>
    %add3A_17 = vector.broadcast %get3A_16 : vector<1x1024xf32> to vector<2000x1024xf32>
    %add3A_18 = arith.addf %add3A, %add3A_17 : vector<2000x1024xf32>
    %max3A = arith.constant 0.000000e+00 : f32
    %max3A_19 = vector.broadcast %max3A : f32 to vector<2000x1024xf32>
    %max3A_20 = arith.maximumf %add3A_18, %max3A_19 : vector<2000x1024xf32>
    %get3A_21 = arith.constant 0 : index
    %get3A_22 = arith.constant 0 : index
    %get3A_23 = vector.load %arg6[%get3A_21, %get3A_22] : memref<1024x1024xf32, #tpu.memory_space<vmem>>, vector<1024x1024xf32>
    %dot_general3A_24 = arith.constant dense<0.000000e+00> : vector<2000x1024xf32>
    %dot_general3A_25 = tpu.matmul %max3A_20, %get3A_23, %dot_general3A_24 {dimension_numbers = #tpu.dot_dimension_numbers<[1], [0], [0], [1], [0, 0, 1, 1], [], []>, transpose_lhs_hint = false} : vector<2000x1024xf32>, vector<1024x1024xf32>, vector<2000x1024xf32> -> vector<2000x1024xf32>
    %get3A_26 = arith.constant 0 : index
    %get3A_27 = arith.constant 0 : index
    %get3A_28 = vector.load %arg7[%get3A_26, %get3A_27] : memref<1x1024xf32, #tpu.memory_space<vmem>>, vector<1x1024xf32>
    %add3A_29 = vector.broadcast %get3A_28 : vector<1x1024xf32> to vector<2000x1024xf32>
    %add3A_30 = arith.addf %dot_general3A_25, %add3A_29 : vector<2000x1024xf32>
    %max3A_31 = arith.constant 0.000000e+00 : f32
    %max3A_32 = vector.broadcast %max3A_31 : f32 to vector<2000x1024xf32>
    %max3A_33 = arith.maximumf %add3A_30, %max3A_32 : vector<2000x1024xf32>
    %get3A_34 = arith.constant 0 : index
    %get3A_35 = arith.constant 0 : index
    %get3A_36 = vector.load %arg8[%get3A_34, %get3A_35] : memref<1024x256xf32, #tpu.memory_space<vmem>>, vector<1024x256xf32>
    %dot_general3A_37 = arith.constant dense<0.000000e+00> : vector<2000x256xf32>
    %dot_general3A_38 = tpu.matmul %max3A_33, %get3A_36, %dot_general3A_37 {dimension_numbers = #tpu.dot_dimension_numbers<[1], [0], [0], [1], [0, 0, 1, 1], [], []>, transpose_lhs_hint = false} : vector<2000x1024xf32>, vector<1024x256xf32>, vector<2000x256xf32> -> vector<2000x256xf32>
    %get3A_39 = arith.constant 0 : index
    %get3A_40 = arith.constant 0 : index
    %get3A_41 = vector.load %arg9[%get3A_39, %get3A_40] : memref<1x256xf32, #tpu.memory_space<vmem>>, vector<1x256xf32>
    %add3A_42 = vector.broadcast %get3A_41 : vector<1x256xf32> to vector<2000x256xf32>
    %add3A_43 = arith.addf %dot_general3A_38, %add3A_42 : vector<2000x256xf32>
    %swap3A = arith.constant 0 : index
    %swap3A_44 = arith.constant 0 : index
    %swap3A_45 = vector.load %arg10[%swap3A, %swap3A_44] : memref<2000x256xf32, #tpu.memory_space<vmem>>, vector<2000x256xf32>
    tpu.vector_store %arg10[%swap3A, %swap3A_44], %add3A_43 {strides = array<i32>} : memref<2000x256xf32, #tpu.memory_space<vmem>>, vector<2000x256xf32>,
    return
  }
  func.func @transform_0(%arg0: i32) -> (i32, i32) {
    %c0_i32 = arith.constant 0 : i32
    %c0_i32_0 = arith.constant 0 : i32
    return %arg0, %c0_i32 : i32, i32
  }
  func.func @transform_1(%arg0: i32) -> (i32, i32) {
    %c0_i32 = arith.constant 0 : i32
    %c0_i32_0 = arith.constant 0 : i32
    return %arg0, %c0_i32 : i32, i32
  }
  func.func @transform_2(%arg0: i32) -> (i32, i32) {
    %c0_i32 = arith.constant 0 : i32
    %c0_i32_0 = arith.constant 0 : i32
    %c0_i32_1 = arith.constant 0 : i32
    return %c0_i32, %c0_i32_0 : i32, i32
  }
  func.func @transform_3(%arg0: i32) -> (i32, i32) {
    %c0_i32 = arith.constant 0 : i32
    %c0_i32_0 = arith.constant 0 : i32
    %c0_i32_1 = arith.constant 0 : i32
    return %c0_i32, %c0_i32_0 : i32, i32
  }
  func.func @transform_4(%arg0: i32) -> (i32, i32) {
    %c0_i32 = arith.constant 0 : i32
    %c0_i32_0 = arith.constant 0 : i32
    %c0_i32_1 = arith.constant 0 : i32
    return %c0_i32, %c0_i32_0 : i32, i32
  }
  func.func @transform_5(%arg0: i32) -> (i32, i32) {
    %c0_i32 = arith.constant 0 : i32
    %c0_i32_0 = arith.constant 0 : i32
    %c0_i32_1 = arith.constant 0 : i32
    return %c0_i32, %c0_i32_0 : i32, i32
  }
  func.func @transform_6(%arg0: i32) -> (i32, i32) {
    %c0_i32 = arith.constant 0 : i32
    %c0_i32_0 = arith.constant 0 : i32
    %c0_i32_1 = arith.constant 0 : i32
    return %c0_i32, %c0_i32_0 : i32, i32
  }
  func.func @transform_7(%arg0: i32) -> (i32, i32) {
    %c0_i32 = arith.constant 0 : i32
    %c0_i32_0 = arith.constant 0 : i32
    %c0_i32_1 = arith.constant 0 : i32
    return %c0_i32, %c0_i32_0 : i32, i32
  }
  func.func @transform_8(%arg0: i32) -> (i32, i32) {
    %c0_i32 = arith.constant 0 : i32
    %c0_i32_0 = arith.constant 0 : i32
    %c0_i32_1 = arith.constant 0 : i32
    return %c0_i32, %c0_i32_0 : i32, i32
  }
  func.func @transform_9(%arg0: i32) -> (i32, i32) {
    %c0_i32 = arith.constant 0 : i32
    %c0_i32_0 = arith.constant 0 : i32
    return %arg0, %c0_i32 : i32, i32
  }
}

</mosaic_0001>

<sc_bundles>
// kernel: kernel.4.cloned.1.call-start
scs
__scs_entry_jumppad:
0x0: {  	(pc) =	sbr.rel $0x88, $3  }
0x1: {  	(tag) =	ssettag $0x0;
	lr =	simm.s32 $0x1  }
0x2: {  	[smem:$0x3F99] =	sst lr;
	_ =	strace $0xD0000000  }
0x3: {  	_ = 	snop  }
0x4: {  	_ = 	snop  }
0x5: {  	_ = 	snop  }
0x6: {  	_ = 	snop  }
0x7: {  	_ = 	snop  }
__scs_overlays_trampoline_lowered:
0x8: {  	[smem:$0x3FA8] =	sst s0  }
0x9: {  	[smem:$0x3FA9] =	sst s1  }
0xa: {  	[smem:$0x3FAA] =	sst s2  }
0xb: {  	[smem:$0x3FAB] =	sst s3  }
0xc: {  	[smem:$0x3FAC] =	sst s4  }
0xd: {  	[smem:$0x3FAD] =	sst s5  }
0xe: {  	[smem:$0x3FAE] =	sst s6  }
0xf: {  	[smem:$0x3FAF] =	sst s7  }
0x10: {  	[smem:$0x3FB0] =	sst s8  }
0x11: {  	[smem:$0x3FB1] =	sst s9;
	s0 =	simm.s32 @!p0 $0x0  }
0x12: {  	s1 =	sld [smem:$0x3F97];
	s0 =	simm.s32 @p0 $0x1  }
0x13: {  	[smem:$0x3FB2] =	sst s0;
	s0 =	simm.s32 @!p1 $0x0  }
0x14: {  	s2 =	sld [smem:$0x3F96];
	s0 =	simm.s32 @p1 $0x1  }
0x15: {  	[smem:$0x3FB3] =	sst s0;
	s0 =	simm.s32 @!p2 $0x0  }
0x16: {  	s3 =	sld [smem:$0x3FDB];
	s0 =	simm.s32 @p2 $0x1  }
0x17: {  	s4 =	simm.s32 $0x1BF5;
	[smem:$0x3FB5] =	sst s0  }
0x18: {  	s0 =	sld [smem:$0x3F98];
	_ =	swait.ge [sflag:s4], $0x0  }
0x19: {  	s7 =	sld [smem:$0x3F99]  }
0x1a: {  	s8 =	sadd.s32 $0xFFFFE003, lr  }
0x1b: {  	s9 =	sadd.s32 $0xFFFFFEF7, lr;
	s5 =	simm.s32 $0xFFFFFFFF;
	p2 =	slt.u32 s8, $0xFFFFF086  }
0x1c: {  	p1 =	slt.u32 s9, $0xF7A;
	s5 =	simm.s32 @!p2 $0x0  }
0x1d: {  	s5 =	simm.s32 @p1 $0x1;
	p0 =	seq.s32 s7, s2  }
0x1e: {  	s7 =	smul.u32 @!p0 $0xF7A, s2;
	p2 =	seq.s32 @!p0 s5, $0x0  }
0x1f: {  	s9 =	smul.u32 $0xF7A, s1;
	s8 =	simm.s32 @!p0 $0x1BF5;
	p2 =	por !p2, p0  }
0x20: {  	[sflag:s8] =	ssyncset.s32 @!p0 $0xFFFFF086;
	s6 =	sadd.s32 @!p0 s3, s7;
	s7 =	simm.s32 @!p0 $0x108  }
0x21: {  	s3 =	sadd.s32 s3, s9;
	s6 =	sadd.s32 @!p0 $0x88, s6;
	s7 =	simm.s32 @p2 $0x1082  }
0x22: {  	[simem:s7], [sflag:s8] =	dma.local @!p0 [hbm:s6], $0xF7A  }
0x23: {  	s9 =	sor.u32 $0xD0000000, s2;
	s6 =	simm.s32 $0x108;
	_ =	swait.ge @!p0 [sflag:s8], $0x0  }
0x24: {  	s3 =	sadd.s32 $0x88, s3;
	s6 =	simm.s32 @!p1 $0x1082;
	[sflag:s4] =	ssyncset.s32 $0xFFFFF086  }
0x25: {  	[simem:s6], [sflag:s4] =	dma.local [hbm:s3], $0xF7A  }
0x26: {  	[smem:$0x3F99] =	sst s1;
	(tag) =	ssettag s2;
	_ =	strace s9  }
0x27: {  	s1 =	sld [smem:$0x3FA9]  }
0x28: {  	s2 =	sld [smem:$0x3FAA]  }
0x29: {  	s4 =	sld [smem:$0x3FAC]  }
0x2a: {  	p0 =	seq.s32 s5, $0x0;
	s5 =	sld [smem:$0x3FAD]  }
0x2b: {  	s6 =	sld [smem:$0x3FAE]  }
0x2c: {  	s7 =	sld [smem:$0x3FAF]  }
0x2d: {  	s3 =	simm.s32 $0x108;
	s8 =	sld [smem:$0x3FB0]  }
0x2e: {  	s3 =	simm.s32 @!p0 $0x1082;
	s9 =	sld [smem:$0x3FB1]  }
0x2f: {  	lr =	sadd.s32 s0, s3;
	s0 =	sld [smem:$0x3FA8]  }
0x30: {  	s3 =	sld [smem:$0x3FAB]  }
0x31: {  	[smem:$0x3FB4] =	sst s10  }
0x32: {  	s10 =	sld [smem:$0x3FB2];
	_ =	sdelay $0x3  }
0x33: {  	p0 =	seq.s32 s10, $0x1;
	s10 =	sld [smem:$0x3FB4];
	_ =	sdelay $0x3  }
0x34: {  	[smem:$0x3FB4] =	sst s10  }
0x35: {  	s10 =	sld [smem:$0x3FB3];
	_ =	sdelay $0x3  }
0x36: {  	p1 =	seq.s32 s10, $0x1;
	s10 =	sld [smem:$0x3FB4];
	_ =	sdelay $0x3  }
0x37: {  	[smem:$0x3FB4] =	sst s10  }
0x38: {  	s10 =	sld [smem:$0x3FB5]  }
0x39: {  	_ = 	snop;
	(pc) =	sbr.ind lr, $3  }
0x3a: {  	_ = 	snop  }
0x3b: {  	_ = 	snop  }
0x3c: {  	p2 =	seq.s32 s10, $0x1;
	s10 =	sld [smem:$0x3FB4]  }
0x3d: {  	_ =	shalt  }
0x3e: {  	_ =	shalt  }
0x3f: {  	_ =	shalt  }
0x40: {  	_ =	shalt  }
0x41: {  	_ =	shalt  }
0x42: {  	_ =	shalt  }
0x43: {  	_ =	shalt  }
0x44: {  	_ =	shalt  }
0x45: {  	_ =	shalt  }
0x46: {  	_ =	shalt  }
0x47: {  	_ =	shalt  }
0x48: {  	_ =	shalt  }
0x49: {  	_ =	shalt  }
0x4a: {  	_ =	shalt  }
0x4b: {  	_ =	shalt  }
0x4c: {  	_ =	shalt  }
0x4d: {  	_ =	shalt  }
0x4e: {  	_ =	shalt  }
0x4f: {  	_ =	shalt  }
0x50: {  	_ =	shalt  }
0x51: {  	_ =	shalt  }
0x52: {  	_ =	shalt  }
0x53: {  	_ =	shalt  }
0x54: {  	_ =	shalt  }
0x55: {  	_ =	shalt  }
0x56: {  	_ =	shalt  }
0x57: {  	_ =	shalt  }
0x58: {  	_ =	shalt  }
0x59: {  	_ =	shalt  }
0x5a: {  	_ =	shalt  }
0x5b: {  	_ =	shalt  }
0x5c: {  	_ =	shalt  }
0x5d: {  	_ =	shalt  }
0x5e: {  	_ =	shalt  }
0x5f: {  	_ =	shalt  }
0x60: {  	_ =	shalt  }
0x61: {  	_ =	shalt  }
0x62: {  	_ =	shalt  }
0x63: {  	_ =	shalt  }
0x64: {  	_ =	shalt  }
0x65: {  	_ =	shalt  }
0x66: {  	_ =	shalt  }
0x67: {  	_ =	shalt  }
0x68: {  	_ =	shalt  }
0x69: {  	_ =	shalt  }
0x6a: {  	_ =	shalt  }
0x6b: {  	_ =	shalt  }
0x6c: {  	_ =	shalt  }
0x6d: {  	_ =	shalt  }
0x6e: {  	_ =	shalt  }
0x6f: {  	_ =	shalt  }
0x70: {  	_ =	shalt  }
0x71: {  	_ =	shalt  }
0x72: {  	_ =	shalt  }
0x73: {  	_ =	shalt  }
0x74: {  	_ =	shalt  }
0x75: {  	_ =	shalt  }
0x76: {  	_ =	shalt  }
0x77: {  	_ =	shalt  }
0x78: {  	_ =	shalt  }
0x79: {  	_ =	shalt  }
0x7a: {  	_ =	shalt  }
0x7b: {  	_ =	shalt  }
0x7c: {  	_ =	shalt  }
0x7d: {  	_ =	shalt  }
0x7e: {  	_ =	shalt  }
0x7f: {  	_ =	shalt  }
0x80: {  	_ =	shalt  }
0x81: {  	_ =	shalt  }
0x82: {  	_ =	shalt  }
0x83: {  	_ =	shalt  }
0x84: {  	_ =	shalt  }
0x85: {  	_ =	shalt  }
0x86: {  	_ =	shalt  }
0x87: {  	_ =	shalt  }
.Lfunc_end0:
.L_simem_size_0:
called_computation_lowered:
.L_overlay_start_0:
0x88: {  	s2 =	sld [smem:$0x3FD9]  }
0x89: {  	s3 =	sld [smem:$0x3FFE];
	_ =	sdelay $0x1  }
0x8a: {  	s1 =	srdreg.scid  }
0x8b: {  	s0 =	sand.u32 $0x1, s1  }
0x8c: {  	s17 =	sshll.u32 s0, $0xA;
	s2 =	sadd.s32 s3, s2  }
0x8d: {  	s2 =	sadd.s32 s2, s17  }
0x8e: {  	[smem:$0x3FC0] =	sst s2  }
0x8f: {  	_ = 	snop  }
0x90: {  	s2 =	sld [smem:$0x3FD0];
	(tm) =	ssettm $0x1  }
0x91: {  	s18 =	sld [smem:$0x3FFB];
	_ =	sdelay $0x3  }
0x92: {  	_ =	strace s18  }
0x93: {  	s3 =	sld [smem:$0x3FFC];
	_ =	sdelay $0x3  }
0x94: {  	_ =	strace s3  }
0x95: {  	s3 =	sld [smem:$0x3FFD];
	_ =	sdelay $0x3  }
0x96: {  	_ =	strace s3  }
0x97: {  	_ =	strace $0x8FFFFFFF  }
0x98: {  	s19 =	sld [smem:$0x3FDB];
	_ =	sdelay $0x1  }
0x99: {  	s4 =	simm.s32 $_scs_section_size  }
0x9a: {  	s5 =	simm.s32 $_size__tile_overlayer_lowered;
	s6 =	simm.s32 $_tile_overlayer_lowered  }
0x9b: {  	s22 =	simm.s32 $0x1BFF;
	s21 =	sshll.u32 s6, $0x1;
	s3 =	sadd.s32 s4, s19  }
0x9c: {  	s7 =	simm.s32 $0x0;
	s20 =	sshll.u32 s5, $0x1;
	s5 =	sadd.s32 s21, s3  }
0x9d: {  	[timem:s7], [sflag:s22] =	dma.local [hbm:s5], s20  }
0x9e: {  	_ =	swait.ge [sflag:s22], s20  }
0x9f: {  	s4 =	ssub.s32 $0x0, s20;
	[sflag:s22] =	ssyncset.done $0x0  }
0xa0: {  	[sflag:s22] =	ssyncadd.s32 s4;
	_ =	sdelay $0x1  }
0xa1: {  	s23 =	simm.s32 $0x1B8B  }
0xa2: {  	_ =	swait.ge [sflag:s23], $0x1  }
0xa3: {  	[sflag:s23] =	ssyncset.done $0x0  }
0xa4: {  	s25 =	simm.s32 $0x1B8E;
	s24 =	sld [smem:$0x3FFE];
	[sflag:s23] =	ssyncadd.s32 $0xFFFFFFFF  }
0xa5: {  	s26 =	simm.s32 $execute0_lowered;
	[smem:$0x3FD2] =	sst s25  }
0xa6: {  	s5 =	sshll.u32 s26, $0x1;
	_ =	strace $0x80000046;
	[dreg:$0x1] =	wrdreg $0xFFFFFFFF  }
0xa7: {  	s28 =	simm.s32 $_size_execute0_lowered;
	s3 =	sadd.s32 s3, s5;
	[dreg:$0x0] =	wrdreg $0x0  }
0xa8: {  	s5 =	sshll.u32 s28, $0x1;
	[dreg:$0x2] =	wrdreg s3  }
0xa9: {  	[dreg:$0x3] =	wrdreg s5  }
0xaa: {  	[dreg:$0x4] =	wrdreg $0xC0  }
0xab: {  	_ =	task [dreg:s7], $0x5FFFF  }
0xac: {  	[dreg:$0x1] =	wrdreg $0xFFFFFFFF  }
0xad: {  	[dreg:$0x0] =	wrdreg $0x60  }
0xae: {  	[dreg:$0x2] =	wrdreg s24  }
0xaf: {  	[dreg:$0x3] =	wrdreg s2  }
0xb0: {  	[dreg:$0x4] =	wrdreg $0x0  }
0xb1: {  	[dreg:$0x5] =	wrdreg $0x9  }
0xb2: {  	_ =	task.clear_ibuf [dreg:s7], $0x6FFFF;
	_ =	strace $0x90000046  }
0xb3: {  	s29 =	simm.s32 $0x9;
	_ =	strace $0x80000048  }
0xb4: {  	_ =	swait.ge [sflag:s29], $0x1  }
0xb5: {  	[sflag:s29] =	ssyncadd.s32 $0xFFFFFFFF  }
0xb6: {  	_ =	strace $0x90000048  }
0xb7: {  	_ =	sfence  }
0xb8: {  	s30 =	sld [smem:$0x0];
	_ =	sdelay $0x2  }
0xb9: {  	s31 =	sshll.u32 s1, $0xD;
	s1 =	sshrl.u32 s1, $0x2  }
0xba: {  	s3 =	sand.u32 $0x4000, s31;
	s1 =	sadd.s32 s1, s30  }
0xbb: {  	s0 =	sor.u32 s3, s0;
	s1 =	sshll.u32 s1, $0x11  }
0xbc: {  	s0 =	sor.u32 s1, s0  }
0xbd: {  	s0 =	sadd.s32 $0x8F2B, s0  }
0xbe: {  	[sflag:s0] =	ssyncadd.remote.s32 $0x1  }
0xbf: {  	_ =	sfence.sel $0xFFFF  }
0xc0: {  	[dreg:$0x0] =	wrdreg $0xFFFFFFFF;
	(pc) =	sbr.abs _section_cstart, $3  }
0xc1: {  	[dreg:$0x1] =	wrdreg $0xFFFFFFFF  }
0xc2: {  	_ =	task.clear_ibuf [dreg:s7], $0x2FFFF;
	_ =	strace $0x9FFFFFFF  }
0xc3: {  	(tm) =	ssettm $0x7FFFFFFF  }
tec
execute0_lowered:
.L_overlay_start_1:
0x0: {  	(tag) =	ssettag $0x1  }
0x1: {  	s0 =	rddreg [dreg:$0x0]  }
0x2: {  	s31 =	rddreg [dreg:$0x1]  }
0x3: {  	s5 =	rddreg [dreg:$0x2]  }
0x4: {  	s4 =	simm.s32 $0x0;
	s13 =	stileid.u32;
	s3 =	srdreg.scid  }
0x5: {  	s28 =	simm.s32 $0x5;
	s29 =	simm.s32 $0x50;
	s30 =	simm.s32 $0x1DB80  }
0x6: {  	[smem:$0x7FF] =	sst s4;
	s1 =	sadd.s32 $0x2D800, s0;
	s7 =	smul.u32 $0x2710, s13  }
0x7: {  	s6 =	sadd.s32 $0x28800, s0;
	s3 =	sand.u32 $0x1, s3;
	s8 =	smul.u32 $0x2700, s13  }
0x8: {  	s2 =	sadd.s32 $0x1600, s0;
	s11 =	smul.u32 $0x4E000, s13;
	s19 =	sadd.s32 $0x124800, s5  }
0x9: {  	s20 =	sadd.s32 $0x24900, s31;
	_ =	strace $0x80000047;
	[dreg:$0xa] =	wrdreg s19  }
0xa: {  	s22 =	sadd.s32 $0x7E300, s0;
	s23 =	smul.u32 $0x4E2, s13;
	[dreg:$0xb] =	wrdreg s20  }
0xb: {  	s24 =	sadd.s32 $0x25F00, s0;
	p1 =	seq.s32 s13, $0xF;
	[dreg:$0xd] =	wrdreg s22  }
0xc: {  	s13 =	simm.s32 $0x1DC00;
	s9 =	ssub.s32 $0x2, s3;
	[dreg:$0xf] =	wrdreg s24  }
0xd: {  	p0 =	sne.s32 s3, $0x0;
	s19 =	simm.s32 $0x1DB00;
	s24 =	simm.s32 $0x16280  }
0xe: {  	s3 =	simm.s32 $0xA;
	s20 =	simm.s32 $0xC;
	[dreg:$0x17] =	wrdreg s2  }
0xf: {  	s10 =	sshrl.u32 s9, $0x1;
	s7 =	sshrl.u32 s7, $0x3;
	s12 =	sadd.s32 s8, s0  }
0x10: {  	s15 =	sshrl.u32 s11, $0x2;
	s18 =	sadd.s32 s31, s8;
	s8 =	sadd.s32 s2, s8  }
0x11: {  	s0 =	sadd.s32 $0x57100, s0;
	s22 =	sadd.s32 s23, s1;
	s11 =	simm.s32 $0x6  }
0x12: {  	s9 =	ssub.s32 s9, s10;
	s26 =	sadd.s32 s1, s7;
	[dreg:$0x9] =	wrdreg s18  }
0x13: {  	s14 =	sadd.s32 s6, s7;
	s7 =	sadd.s32 $0xA, s7;
	[dreg:$0xe] =	wrdreg s8  }
0x14: {  	s17 =	sadd.s32 s15, s5;
	s21 =	sadd.s32 $0x59A00, s12;
	[dreg:$0x11] =	wrdreg s0  }
0x15: {  	s25 =	sadd.s32 $0x32800, s12;
	s15 =	simm.s32 $0x1;
	[dreg:$0x4] =	wrdreg s26  }
0x16: {  	s18 =	simm.s32 $0x7;
	s8 =	simm.s32 $0x8;
	[dreg:$0x5] =	wrdreg s14  }
0x17: {  	s10 =	simm.s32 $0xB;
	s12 =	simm.s32 $0x3;
	[dreg:$0x8] =	wrdreg s17  }
0x18: {  	s16 =	sadd.s32 s1, s7;
	s7 =	sadd.s32 s6, s7;
	[dreg:$0xc] =	wrdreg s21  }
.Ltmp0:
0x19: {  	[dreg:$0x10] =	wrdreg s25;
	s26 =	smax.u32 s9, $0x1;
	(pc) =	sbr.rel .LBB2_1-.Ltmp0, $4  }
0x1a: {  	s21 =	sadd.s32 s23, s6;
	s17 =	simm.s32 $0x13880;
	s9 =	simm.s32 $0x13900  }
0x1b: {  	s14 =	simm.s32 $0x9;
	s6 =	simm.s32 $0x2;
	[dreg:$0x6] =	wrdreg s16  }
0x1c: {  	s25 =	simm.s32 $0x4;
	s1 =	simm.s32 $0x0;
	[dreg:$0x7] =	wrdreg s7  }
0x1d: {  	[dreg:$0x12] =	wrdreg s26;
	s16 =	simm.s32 $0x1DA80;
	s7 =	simm.s32 $0xD  }
.LBB2_7:
0x1e: {  	[sflag:s16] =	ssyncadd.s32 $0xFFFFD800;
	s23 =	simm.s32 $0x13A00;
	s14 =	simm.s32 $0x1B280  }
0x1f: {  	[spmem:s5] =	stream.indirect.scatter.add.f32 [tilespmem:s14], [sflag:$0x10], $0x80, s23, s29, $0xb8;
	[tilespmem:$0x1DC80] =	vst v63  }
0x20: {  	_ =	swait.ge @!p2 [sflag:s30], $0x2800  }
0x21: {  	s0 =	sadd.s32 s26, s22;
	s13 =	sadd.s32 s26, s21;
	[sflag:s30] =	ssyncset.done @!p2 $0x0  }
0x22: {  	s8 =	simm.s32 $0x1DB80;
	s1 =	sadd.s32 $0x14, s0;
	[sflag:s30] =	ssyncadd.s32 @!p2 $0xFFFFD800  }
0x23: {  	[tilespmem:s8], [sflag:$0x7] =	stream.linear.gather [hbm4b:s1+s4], $0x50, $0x38;
	[tilespmem:$0x1DC80] =	vst v63  }
0x24: {  	s24 =	sadd.s32 $0x14, s13;
	s5 =	simm.s32 $0x13980  }
0x25: {  	[tilespmem:s5], [sflag:$0xB] =	stream.linear.gather [hbm4b:s24+s4], $0x50, $0x38;
	[tilespmem:$0x1DC80] =	vst v63  }
0x26: {  	_ =	swait.ge [sflag:s11], $0x50  }
0x27: {  	[sflag:s11] =	ssyncset.done $0x0  }
0x28: {  	s17 =	simm.s32 $0x16280;
	s9 =	simm.s32 $0x1DB00;
	[sflag:s11] =	ssyncadd.s32 $0xFFFFFFB0  }
0x29: {  	[tilespmem:s17], [sflag:$0x2] =	stream.indirect.gather [hbm4b:s31+s29], $0x80, s9, s29, $0xb8;
	[tilespmem:$0x1DC80] =	vst v63  }
0x2a: {  	_ =	swait.ge [sflag:s15], $0x50  }
0x2b: {  	[sflag:s15] =	ssyncset.done $0x0  }
0x2c: {  	[sflag:s15] =	ssyncadd.s32 $0xFFFFFFB0  }
0x2d: {  	_ =	swait.ge [sflag:s18], $0x2800  }
0x2e: {  	s30 =	simm.s32 $0x13880;
	[sflag:s18] =	ssyncset.done $0x0  }
0x2f: {  	s1 =	simm.s32 @!p2 $0x10;
	s9 =	simm.s32 $0x13A80;
	[sflag:s18] =	ssyncadd.s32 $0xFFFFD800  }
0x30: {  	[spmem:s2] =	stream.indirect.scatter.add.f32 [tilespmem:s9], [sflag:$0xD], $0x80, s30, s29, $0xb8;
	[tilespmem:$0x1DC80] =	vst v63  }
0x31: {  	_ =	swait.ge @!p2 [sflag:s1], $0x2800  }
0x32: {  	[sflag:s1] =	ssyncset.done @!p2 $0x0  }
0x33: {  	s19 =	sadd.s32 $0x1E, s0;
	s24 =	simm.s32 $0x1DC00;
	[sflag:s1] =	ssyncadd.s32 @!p2 $0xFFFFD800  }
0x34: {  	[tilespmem:s24], [sflag:$0x8] =	stream.linear.gather [hbm4b:s19+s4], $0x50, $0x38;
	[tilespmem:$0x1DC80] =	vst v63  }
0x35: {  	s19 =	sadd.s32 $0x1E, s13  }
0x36: {  	[tilespmem:s23], [sflag:$0xC] =	stream.linear.gather [hbm4b:s19+s4], $0x50, $0x38;
	[tilespmem:$0x1DC80] =	vst v63  }
0x37: {  	_ =	swait.ge [sflag:s3], $0x50  }
0x38: {  	[sflag:s3] =	ssyncset.done $0x0  }
0x39: {  	s1 =	simm.s32 $0x18A80;
	[sflag:s3] =	ssyncadd.s32 $0xFFFFFFB0  }
0x3a: {  	[tilespmem:s1], [sflag:$0x3] =	stream.indirect.gather [hbm4b:s31+s29], $0x80, s8, s29, $0xb8;
	[tilespmem:$0x1DC80] =	vst v63  }
0x3b: {  	_ =	swait.ge [sflag:s6], $0x50  }
0x3c: {  	[sflag:s6] =	ssyncset.done $0x0  }
0x3d: {  	[sflag:s6] =	ssyncadd.s32 $0xFFFFFFB0  }
0x3e: {  	_ =	swait.ge [sflag:s7], $0x2800  }
0x3f: {  	[sflag:s7] =	ssyncset.done $0x0  }
0x40: {  	s8 =	simm.s32 $0xD;
	[sflag:s7] =	ssyncadd.s32 $0xFFFFD800;
	s7 =	simm.s32 $0x13900  }
0x41: {  	[spmem:s2] =	stream.indirect.scatter.add.f32 [tilespmem:s17], [sflag:$0xE], $0x80, s7, s29, $0xb8;
	[tilespmem:$0x1DC80] =	vst v63  }
0x42: {  	_ =	swait.ge [sflag:s8], $0x2800  }
0x43: {  	[sflag:s8] =	ssyncset.done $0x0  }
0x44: {  	s0 =	sadd.s32 $0x28, s0;
	s17 =	simm.s32 $0x1DA80;
	[sflag:s8] =	ssyncadd.s32 $0xFFFFD800  }
0x45: {  	[tilespmem:s17], [sflag:$0x5] =	stream.linear.gather [hbm4b:s0+s4], $0x50, $0x38;
	[tilespmem:$0x1DC80] =	vst v63  }
0x46: {  	s19 =	sadd.s32 $0x28, s13  }
0x47: {  	[tilespmem:s30], [sflag:$0x9] =	stream.linear.gather [hbm4b:s19+s4], $0x50, $0x38;
	[tilespmem:$0x1DC80] =	vst v63  }
0x48: {  	_ =	swait.ge [sflag:s10], $0x50  }
0x49: {  	[sflag:s10] =	ssyncset.done $0x0  }
0x4a: {  	[sflag:s10] =	ssyncadd.s32 $0xFFFFFFB0  }
0x4b: {  	[tilespmem:s14], [sflag:$0x4] =	stream.indirect.gather [hbm4b:s31+s29], $0x80, s24, s29, $0xb8;
	[tilespmem:$0x1DC80] =	vst v63  }
0x4c: {  	_ =	swait.ge [sflag:s12], $0x50  }
0x4d: {  	[sflag:s12] =	ssyncset.done $0x0  }
0x4e: {  	[sflag:s12] =	ssyncadd.s32 $0xFFFFFFB0  }
0x4f: {  	_ =	swait.ge [sflag:s20], $0x2800  }
0x50: {  	p2 =	seq.s32 s26, $0x4B0;
	[sflag:s20] =	ssyncset.done $0x0  }
0x51: {  	s0 =	simm.s32 @!p2 $0xE;
	[sflag:s20] =	ssyncadd.s32 $0xFFFFD800  }
0x52: {  	[spmem:s2] =	stream.indirect.scatter.add.f32 [tilespmem:s1], [sflag:$0xF], $0x80, s5, s29, $0xb8;
	[tilespmem:$0x1DC80] =	vst v63  }
0x53: {  	_ =	swait.ge @!p2 [sflag:s0], $0x2800  }
0x54: {  	s13 =	simm.s32 @!p2 $0x0;
	s1 =	sadd.s32 @!p2 s26, s22;
	[sflag:s0] =	ssyncset.done @!p2 $0x0  }
0x55: {  	s1 =	sadd.s32 @!p2 $0x32, s1;
	[sflag:s0] =	ssyncadd.s32 @!p2 $0xFFFFD800;
	s0 =	simm.s32 @!p2 $0x1DB00  }
0x56: {  	[tilespmem:s0], [sflag:$0x6] =	stream.linear.gather @!p2 [hbm4b:s1+s13], $0x50, $0x38;
	[tilespmem:$0x1DC80] =	vst v63  }
0x57: {  	s0 =	sadd.s32 @!p2 s26, s21  }
0x58: {  	s1 =	simm.s32 @!p2 $0x13900;
	s0 =	sadd.s32 @!p2 $0x32, s0  }
0x59: {  	[tilespmem:s1], [sflag:$0xA] =	stream.linear.gather @!p2 [hbm4b:s0+s13], $0x50, $0x38;
	[tilespmem:$0x1DC80] =	vst v63  }
0x5a: {  	_ =	swait.ge [sflag:s28], $0x50  }
0x5b: {  	[sflag:s28] =	ssyncset.done $0x0  }
0x5c: {  	[sflag:s28] =	ssyncadd.s32 $0xFFFFFFB0  }
0x5d: {  	[tilespmem:s9], [sflag:$0x1] =	stream.indirect.gather [hbm4b:s31+s29], $0x80, s17, s29, $0xb8;
	[tilespmem:$0x1DC80] =	vst v63  }
0x5e: {  	_ =	swait.ge [sflag:s25], $0x50  }
0x5f: {  	[sflag:s25] =	ssyncset.done $0x0  }
0x60: {  	[sflag:s25] =	ssyncadd.s32 $0xFFFFFFB0  }
0x61: {  	_ =	swait.ge [sflag:s16], $0x2800  }
0x62: {  	[sflag:s16] =	ssyncset.done $0x0  }
0x63: {  	[sflag:s16] =	ssyncadd.s32 $0xFFFFD800  }
0x64: {  	[spmem:s2] =	stream.indirect.scatter.add.f32 [tilespmem:s14], [sflag:$0x10], $0x80, s23, s29, $0xb8;
	[tilespmem:$0x1DC80] =	vst v63  }
0x65: {  	_ =	swait.ge [sflag:s15], $0x50  }
0x66: {  	[sflag:s15] =	ssyncset.done $0x0  }
0x67: {  	[sflag:s15] =	ssyncadd.s32 $0xFFFFFFB0  }
0x68: {  	_ =	swait.ge [sflag:s18], $0x2800  }
0x69: {  	[sflag:s18] =	ssyncset.done $0x0  }
0x6a: {  	[sflag:s18] =	ssyncadd.s32 $0xFFFFD800  }
0x6b: {  	[spmem:s2] =	stream.indirect.scatter.add.f32 [tilespmem:s9], [sflag:$0xD], $0x80, s30, s29, $0xb8;
	[tilespmem:$0x1DC80] =	vst v63  }
0x6c: {  	_ =	swait.ge [sflag:s8], $0x2800  }
0x6d: {  	[sflag:s8] =	ssyncset.done $0x0  }
0x6e: {  	s24 =	simm.s32 $0xE;
	[sflag:s8] =	ssyncadd.s32 $0xFFFFD800  }
0x6f: {  	_ =	swait.ge [sflag:s24], $0x2800  }
0x70: {  	[sflag:s24] =	ssyncset.done $0x0  }
0x71: {  	s25 =	simm.s32 $0xF;
	[sflag:s24] =	ssyncadd.s32 $0xFFFFD800  }
0x72: {  	_ =	swait.ge [sflag:s25], $0x2800  }
0x73: {  	[sflag:s25] =	ssyncset.done $0x0  }
0x74: {  	s26 =	simm.s32 $0x10;
	[sflag:s25] =	ssyncadd.s32 $0xFFFFD800  }
0x75: {  	_ =	swait.ge [sflag:s26], $0x2800  }
0x76: {  	[sflag:s26] =	ssyncset.done $0x0  }
0x77: {  	[sflag:s26] =	ssyncadd.s32 $0xFFFFD800  }
0x78: {  	s3 =	simm.s32 $0xA;
	[bflag:$0x0] =	sbarrier.arrive $0xFFFF  }
0x79: {  	s6 =	simm.s32 $0x2;
	s7 =	simm.s32 $0xD;
	s1 =	rddreg [dreg:$0xd]  }
0x7a: {  	s19 =	simm.s32 $0x1DB00;
	s0 =	simm.s32 @p1 $0x1FD1;
	s9 =	rddreg [dreg:$0x16]  }
0x7b: {  	[hbm:s1], [sflag:s0] =	dma.local @p1 [spmem:s9], $0x2800  }
0x7c: {  	s10 =	simm.s32 $0xB;
	s12 =	simm.s32 $0x3;
	s0 =	simm.s32 @p1 $0x11  }
0x7d: {  	s20 =	simm.s32 $0xC;
	s5 =	smov.u32 s2;
	_ =	swait.ge @p1 [sflag:s0], $0x2800  }
0x7e: {  	s17 =	simm.s32 $0x13880;
	s16 =	simm.s32 $0x1DA80;
	s1 =	rddreg [dreg:$0x14]  }
0x7f: {  	s14 =	simm.s32 $0x9;
	[sflag:s0] =	ssyncset.done @p1 $0x0;
	s9 =	rddreg [dreg:$0x15]  }
0x80: {  	s15 =	simm.s32 $0x1;
	[sflag:s0] =	ssyncadd.s32 @p1 $0xFFFFD800;
	s0 =	rddreg [dreg:$0xc]  }
0x81: {  	[hbm:s0], [sflag:s9] =	dma.local @!p1 [spmem:s1], $0x2700  }
0x82: {  	s18 =	simm.s32 $0x7;
	s30 =	simm.s32 $0x1DB80;
	s0 =	simm.s32 @!p1 $0x11  }
0x83: {  	s8 =	simm.s32 $0x8;
	s24 =	simm.s32 $0x16280;
	_ =	swait.ge @!p1 [sflag:s0], $0x2700  }
0x84: {  	s25 =	simm.s32 $0x4;
	[sflag:s0] =	ssyncset.done @!p1 $0x0;
	s1 =	rddreg [dreg:$0x13]  }
0x85: {  	s9 =	simm.s32 $0x13900;
	s2 =	rddreg [dreg:$0x17];
	[sflag:s0] =	ssyncadd.s32 @!p1 $0xFFFFD900  }
.LBB2_8:
0x86: {  	s1 =	sadd.s32 $0x1, s1;
	s0 =	rddreg [dreg:$0x12]  }
0x87: {  	p2 =	sne.s32 s1, s0  }
.Ltmp1:
0x88: {  	_ = 	snop;
	(pc) =	sbr.rel @!p2 .LBB2_9-.Ltmp1, $2  }
0x89: {  	_ =	sdelay $0x2  }
0x8a: {  	s13 =	simm.s32 $0x1DC00  }
.LBB2_1:
0x8b: {  	[dreg:$0x13] =	wrdreg s1  }
0x8c: {  	s0 =	rddreg [dreg:$0x4]  }
0x8d: {  	[tilespmem:s16], [sflag:$0x5] =	stream.linear.gather [hbm4b:s0+s4], $0x50, $0x38;
	[tilespmem:$0x1DC80] =	vst v63  }
0x8e: {  	s1 =	rddreg [dreg:$0x5]  }
0x8f: {  	[tilespmem:s17], [sflag:$0x9] =	stream.linear.gather [hbm4b:s1+s4], $0x50, $0x38;
	[tilespmem:$0x1DC80] =	vst v63  }
0x90: {  	s23 =	rddreg [dreg:$0x6];
	s0 =	stileid.u32  }
0x91: {  	[tilespmem:s19], [sflag:$0x6] =	stream.linear.gather [hbm4b:s23+s4], $0x50, $0x38;
	[tilespmem:$0x1DC80] =	vst v63  }
0x92: {  	s26 =	rddreg [dreg:$0x7];
	s1 =	sshll.u32 @!p1 s0, $0x6  }
0x93: {  	[tilespmem:s9], [sflag:$0xA] =	stream.linear.gather [hbm4b:s26+s4], $0x50, $0x38;
	[tilespmem:$0x1DC80] =	vst v63  }
0x94: {  	s9 =	sor.u32 @!p1 $0x1C11, s1  }
.Ltmp2:
0x95: {  	_ =	swait.ge [sflag:s28], $0x50;
	[dreg:$0x15] =	wrdreg s9;
	(pc) =	sbr.rel @p0 .LBB2_5-.Ltmp2, $4  }
0x96: {  	s0 =	rddreg [dreg:$0xa]  }
0x97: {  	s26 =	sshrl.u32 @p1 s0, $0x3;
	s0 =	rddreg [dreg:$0x8]  }
0x98: {  	[sflag:s28] =	ssyncset.done $0x0;
	s23 =	sshrl.u32 @!p1 s0, $0x3;
	[dreg:$0x16] =	wrdreg s26  }
0x99: {  	[sflag:s28] =	ssyncadd.s32 $0xFFFFFFB0;
	s0 =	simm.s32 $0x13A80;
	[dreg:$0x14] =	wrdreg s23  }
0x9a: {  	[tilespmem:s0], [sflag:$0x1] =	stream.indirect.gather [hbm4b:s2+s29], $0x80, s16, s29, $0xb8;
	[tilespmem:$0x1DC80] =	vst v63  }
0x9b: {  	s1 =	simm.s32 @p1 $0x1FD1;
	s0 =	rddreg [dreg:$0xf]  }
0x9c: {  	[spmem:s26], [sflag:s1] =	dma.local @p1 [hbm:s0], $0x2800  }
0x9d: {  	s1 =	simm.s32 @p1 $0x11  }
0x9e: {  	_ =	swait.ge @p1 [sflag:s1], $0x2800  }
0x9f: {  	[sflag:s1] =	ssyncset.done @p1 $0x0  }
0xa0: {  	s0 =	rddreg [dreg:$0xe];
	[sflag:s1] =	ssyncadd.s32 @p1 $0xFFFFD800;
	s1 =	simm.s32 @!p1 $0x11  }
0xa1: {  	[spmem:s23], [sflag:s9] =	dma.local @!p1 [hbm:s0], $0x2700  }
0xa2: {  	_ =	swait.ge @!p1 [sflag:s1], $0x2700  }
0xa3: {  	p2 =	por $0x1, $0x1;
	[sflag:s1] =	ssyncset.done @!p1 $0x0  }
0xa4: {  	p2 =	por p2, p2;
	[sflag:s1] =	ssyncadd.s32 @!p1 $0xFFFFD900  }
0xa5: {  	s1 =	simm.s32 @!p2 $0xF;
	[bflag:$0x0] =	sbarrier.arrive $0xFFFF  }
0xa6: {  	_ =	swait.ge @!p2 [sflag:s1], $0x2800  }
0xa7: {  	s23 =	sadd.s32 $0x0, s22;
	[sflag:s1] =	ssyncset.done @!p2 $0x0  }
0xa8: {  	s24 =	sadd.s32 $0x0, s21;
	s26 =	sadd.s32 $0x14, s23;
	[sflag:s1] =	ssyncadd.s32 @!p2 $0xFFFFD800  }
0xa9: {  	[tilespmem:s30], [sflag:$0x7] =	stream.linear.gather [hbm4b:s26+s4], $0x50, $0x38;
	[tilespmem:$0x1DC80] =	vst v63  }
0xaa: {  	s9 =	simm.s32 $0x13980;
	s26 =	sadd.s32 $0x14, s24  }
0xab: {  	[tilespmem:s9], [sflag:$0xB] =	stream.linear.gather [hbm4b:s26+s4], $0x50, $0x38;
	[tilespmem:$0x1DC80] =	vst v63  }
0xac: {  	_ =	swait.ge [sflag:s11], $0x50  }
0xad: {  	[sflag:s11] =	ssyncset.done $0x0  }
0xae: {  	s0 =	simm.s32 $0x16280;
	[sflag:s11] =	ssyncadd.s32 $0xFFFFFFB0  }
0xaf: {  	[tilespmem:s0], [sflag:$0x2] =	stream.indirect.gather [hbm4b:s2+s29], $0x80, s19, s29, $0xb8;
	[tilespmem:$0x1DC80] =	vst v63  }
0xb0: {  	_ =	swait.ge [sflag:s14], $0x50  }
0xb1: {  	[sflag:s14] =	ssyncset.done $0x0  }
0xb2: {  	[sflag:s14] =	ssyncadd.s32 $0xFFFFFFB0  }
0xb3: {  	_ =	swait.ge [sflag:s15], $0x2800  }
0xb4: {  	[sflag:s15] =	ssyncset.done $0x0  }
0xb5: {  	s31 =	simm.s32 $0x13A80;
	s1 =	simm.s32 @!p2 $0x10;
	[sflag:s15] =	ssyncadd.s32 $0xFFFFD800  }
0xb6: {  	[spmem:s5] =	stream.indirect.scatter.add.f32 [tilespmem:s31], [sflag:$0xD], $0x80, s17, s29, $0xb8;
	[tilespmem:$0x1DC80] =	vst v63  }
0xb7: {  	_ =	swait.ge @!p2 [sflag:s1], $0x2800  }
0xb8: {  	[sflag:s1] =	ssyncset.done @!p2 $0x0  }
0xb9: {  	s19 =	sadd.s32 $0x1E, s23;
	[sflag:s1] =	ssyncadd.s32 @!p2 $0xFFFFD800  }
0xba: {  	[tilespmem:s13], [sflag:$0x8] =	stream.linear.gather [hbm4b:s19+s4], $0x50, $0x38;
	[tilespmem:$0x1DC80] =	vst v63  }
0xbb: {  	s31 =	simm.s32 $0x13A00;
	s19 =	sadd.s32 $0x1E, s24  }
0xbc: {  	[tilespmem:s31], [sflag:$0xC] =	stream.linear.gather [hbm4b:s19+s4], $0x50, $0x38;
	[tilespmem:$0x1DC80] =	vst v63  }
0xbd: {  	_ =	swait.ge [sflag:s18], $0x50  }
0xbe: {  	[sflag:s18] =	ssyncset.done $0x0  }
0xbf: {  	s19 =	simm.s32 $0x18A80;
	[sflag:s18] =	ssyncadd.s32 $0xFFFFFFB0  }
0xc0: {  	[tilespmem:s19], [sflag:$0x3] =	stream.indirect.gather [hbm4b:s2+s29], $0x80, s30, s29, $0xb8;
	[tilespmem:$0x1DC80] =	vst v63  }
0xc1: {  	_ =	swait.ge [sflag:s3], $0x50  }
0xc2: {  	[sflag:s3] =	ssyncset.done $0x0  }
0xc3: {  	[sflag:s3] =	ssyncadd.s32 $0xFFFFFFB0  }
0xc4: {  	_ =	swait.ge [sflag:s6], $0x2800  }
0xc5: {  	[sflag:s6] =	ssyncset.done $0x0  }
0xc6: {  	s1 =	simm.s32 $0x13900;
	[sflag:s6] =	ssyncadd.s32 $0xFFFFD800  }
0xc7: {  	[spmem:s5] =	stream.indirect.scatter.add.f32 [tilespmem:s0], [sflag:$0xE], $0x80, s1, s29, $0xb8;
	[tilespmem:$0x1DC80] =	vst v63  }
0xc8: {  	_ =	swait.ge [sflag:s7], $0x2800  }
0xc9: {  	[sflag:s7] =	ssyncset.done $0x0  }
0xca: {  	s0 =	sadd.s32 $0x28, s23;
	[sflag:s7] =	ssyncadd.s32 $0xFFFFD800  }
0xcb: {  	[tilespmem:s16], [sflag:$0x5] =	stream.linear.gather [hbm4b:s0+s4], $0x50, $0x38;
	[tilespmem:$0x1DC80] =	vst v63  }
0xcc: {  	s23 =	sadd.s32 $0x28, s24  }
0xcd: {  	[tilespmem:s17], [sflag:$0x9] =	stream.linear.gather [hbm4b:s23+s4], $0x50, $0x38;
	[tilespmem:$0x1DC80] =	vst v63  }
0xce: {  	_ =	swait.ge [sflag:s8], $0x50  }
0xcf: {  	[sflag:s8] =	ssyncset.done $0x0  }
0xd0: {  	s24 =	simm.s32 $0x1B280;
	[sflag:s8] =	ssyncadd.s32 $0xFFFFFFB0  }
0xd1: {  	[tilespmem:s24], [sflag:$0x4] =	stream.indirect.gather [hbm4b:s2+s29], $0x80, s13, s29, $0xb8;
	[tilespmem:$0x1DC80] =	vst v63  }
0xd2: {  	_ =	swait.ge [sflag:s10], $0x50  }
0xd3: {  	[sflag:s10] =	ssyncset.done $0x0  }
0xd4: {  	[sflag:s10] =	ssyncadd.s32 $0xFFFFFFB0  }
0xd5: {  	_ =	swait.ge [sflag:s12], $0x2800  }
0xd6: {  	p2 =	por $0x0, $0x0;
	[sflag:s12] =	ssyncset.done $0x0  }
0xd7: {  	s1 =	simm.s32 @!p2 $0xE;
	[sflag:s12] =	ssyncadd.s32 $0xFFFFD800  }
0xd8: {  	[spmem:s5] =	stream.indirect.scatter.add.f32 [tilespmem:s19], [sflag:$0xF], $0x80, s9, s29, $0xb8;
	[tilespmem:$0x1DC80] =	vst v63  }
0xd9: {  	s23 =	sadd.s32 @!p2 $0x0, s22;
	_ =	swait.ge @!p2 [sflag:s1], $0x2800  }
0xda: {  	s23 =	sadd.s32 @!p2 $0x32, s23;
	[sflag:s1] =	ssyncset.done @!p2 $0x0  }
0xdb: {  	s24 =	simm.s32 @!p2 $0x0;
	[sflag:s1] =	ssyncadd.s32 @!p2 $0xFFFFD800;
	s1 =	simm.s32 @!p2 $0x1DB00  }
0xdc: {  	[tilespmem:s1], [sflag:$0x6] =	stream.linear.gather @!p2 [hbm4b:s23+s24], $0x50, $0x38;
	[tilespmem:$0x1DC80] =	vst v63  }
0xdd: {  	s1 =	sadd.s32 @!p2 $0x0, s21  }
0xde: {  	s23 =	simm.s32 @!p2 $0x13900;
	s1 =	sadd.s32 @!p2 $0x32, s1  }
0xdf: {  	[tilespmem:s23], [sflag:$0xA] =	stream.linear.gather @!p2 [hbm4b:s1+s24], $0x50, $0x38;
	[tilespmem:$0x1DC80] =	vst v63  }
0xe0: {  	_ =	swait.ge [sflag:s28], $0x50  }
0xe1: {  	[sflag:s28] =	ssyncset.done $0x0  }
0xe2: {  	s26 =	simm.s32 $0x13A80;
	[sflag:s28] =	ssyncadd.s32 $0xFFFFFFB0  }
0xe3: {  	[tilespmem:s26], [sflag:$0x1] =	stream.indirect.gather [hbm4b:s2+s29], $0x80, s16, s29, $0xb8;
	[tilespmem:$0x1DC80] =	vst v63  }
0xe4: {  	_ =	swait.ge [sflag:s20], $0x50  }
0xe5: {  	[sflag:s20] =	ssyncset.done $0x0  }
0xe6: {  	p6 =	por $0x0, $0x0;
	s13 =	simm.s32 $0x1B280;
	[sflag:s20] =	ssyncadd.s32 $0xFFFFFFB0  }
0xe7: {  	p2 =	por p6, p6;
	s1 =	simm.s32 $0x50;
	_ =	swait.ge [sflag:s25], $0x2800  }
0xe8: {  	s30 =	simm.s32 @!p2 $0xF;
	s26 =	simm.s32 $0x28;
	[sflag:s25] =	ssyncset.done $0x0  }
.LBB2_3:
0xe9: {  	p4 =	seq.s32 s1, $0x0  }
0xea: {  	[sflag:s25] =	ssyncadd.s32 $0xFFFFD800;
	s23 =	smov.u32 s1;
	s1 =	sadd.s32 $0x28, s1  }
0xeb: {  	[spmem:s5] =	stream.indirect.scatter.add.f32 [tilespmem:s13], [sflag:$0x10], $0x80, s31, s29, $0xb8;
	[tilespmem:$0x1DC80] =	vst v63  }
0xec: {  	s24 =	sadd.s32 s26, s22;
	p3 =	sne.s32 s1, $0x4D8;
	_ =	swait.ge @!p2 [sflag:s30], $0x2800  }
0xed: {  	s0 =	simm.s32 $0x13A00;
	s19 =	simm.s32 $0x1DB80;
	[sflag:s30] =	ssyncset.done @!p2 $0x0  }
0xee: {  	s31 =	sadd.s32 $0x14, s24;
	[sflag:s30] =	ssyncadd.s32 @!p2 $0xFFFFD800;
	s30 =	sadd.s32 s26, s21  }
0xef: {  	[tilespmem:s19], [sflag:$0x7] =	stream.linear.gather [hbm4b:s31+s4], $0x50, $0x38;
	[tilespmem:$0x1DC80] =	vst v63  }
0xf0: {  	s9 =	simm.s32 $0x13980;
	s31 =	sadd.s32 $0x14, s30  }
0xf1: {  	[tilespmem:s9], [sflag:$0xB] =	stream.linear.gather [hbm4b:s31+s4], $0x50, $0x38;
	[tilespmem:$0x1DC80] =	vst v63  }
0xf2: {  	_ =	swait.ge [sflag:s11], $0x50  }
0xf3: {  	[sflag:s11] =	ssyncset.done $0x0  }
0xf4: {  	s16 =	simm.s32 $0x1DB00;
	[sflag:s11] =	ssyncadd.s32 $0xFFFFFFB0;
	s11 =	simm.s32 $0x16280  }
0xf5: {  	[tilespmem:s11], [sflag:$0x2] =	stream.indirect.gather [hbm4b:s2+s29], $0x80, s16, s29, $0xb8;
	[tilespmem:$0x1DC80] =	vst v63  }
0xf6: {  	_ =	swait.ge [sflag:s14], $0x50  }
0xf7: {  	[sflag:s14] =	ssyncset.done $0x0  }
0xf8: {  	[sflag:s14] =	ssyncadd.s32 $0xFFFFFFB0  }
0xf9: {  	_ =	swait.ge [sflag:s15], $0x2800  }
0xfa: {  	s17 =	simm.s32 $0x13A80;
	[sflag:s15] =	ssyncset.done $0x0  }
0xfb: {  	s31 =	simm.s32 @!p2 $0x10;
	s16 =	simm.s32 $0x13880;
	[sflag:s15] =	ssyncadd.s32 $0xFFFFD800  }
0xfc: {  	[spmem:s5] =	stream.indirect.scatter.add.f32 [tilespmem:s17], [sflag:$0xD], $0x80, s16, s29, $0xb8;
	[tilespmem:$0x1DC80] =	vst v63  }
0xfd: {  	_ =	swait.ge @!p2 [sflag:s31], $0x2800  }
0xfe: {  	s25 =	simm.s32 $0x1DC00;
	[sflag:s31] =	ssyncset.done @!p2 $0x0  }
0xff: {  	[sflag:s31] =	ssyncadd.s32 @!p2 $0xFFFFD800;
	s31 =	sadd.s32 $0x1E, s24;
	p2 =	por p4, p4  }
0x100: {  	[tilespmem:s25], [sflag:$0x8] =	stream.linear.gather [hbm4b:s31+s4], $0x50, $0x38;
	[tilespmem:$0x1DC80] =	vst v63  }
0x101: {  	s31 =	sadd.s32 $0x1E, s30  }
0x102: {  	[tilespmem:s0], [sflag:$0xC] =	stream.linear.gather [hbm4b:s31+s4], $0x50, $0x38;
	[tilespmem:$0x1DC80] =	vst v63  }
0x103: {  	_ =	swait.ge [sflag:s18], $0x50  }
0x104: {  	[sflag:s18] =	ssyncset.done $0x0  }
0x105: {  	s0 =	simm.s32 $0x18A80;
	[sflag:s18] =	ssyncadd.s32 $0xFFFFFFB0  }
0x106: {  	[tilespmem:s0], [sflag:$0x3] =	stream.indirect.gather [hbm4b:s2+s29], $0x80, s19, s29, $0xb8;
	[tilespmem:$0x1DC80] =	vst v63  }
0x107: {  	_ =	swait.ge [sflag:s3], $0x50  }
0x108: {  	[sflag:s3] =	ssyncset.done $0x0  }
0x109: {  	[sflag:s3] =	ssyncadd.s32 $0xFFFFFFB0  }
0x10a: {  	_ =	swait.ge [sflag:s6], $0x2800  }
0x10b: {  	[sflag:s6] =	ssyncset.done $0x0  }
0x10c: {  	s19 =	simm.s32 $0x13900;
	[sflag:s6] =	ssyncadd.s32 $0xFFFFD800  }
0x10d: {  	[spmem:s5] =	stream.indirect.scatter.add.f32 [tilespmem:s11], [sflag:$0xE], $0x80, s19, s29, $0xb8;
	[tilespmem:$0x1DC80] =	vst v63  }
0x10e: {  	s11 =	simm.s32 $0x6  }
0x10f: {  	_ =	swait.ge [sflag:s7], $0x2800  }
0x110: {  	[sflag:s7] =	ssyncset.done $0x0  }
0x111: {  	s24 =	sadd.s32 $0x28, s24;
	s19 =	simm.s32 $0x1DA80;
	[sflag:s7] =	ssyncadd.s32 $0xFFFFD800  }
0x112: {  	[tilespmem:s19], [sflag:$0x5] =	stream.linear.gather [hbm4b:s24+s4], $0x50, $0x38;
	[tilespmem:$0x1DC80] =	vst v63  }
0x113: {  	s24 =	sadd.s32 $0x28, s30  }
0x114: {  	[tilespmem:s16], [sflag:$0x9] =	stream.linear.gather [hbm4b:s24+s4], $0x50, $0x38;
	[tilespmem:$0x1DC80] =	vst v63  }
0x115: {  	_ =	swait.ge [sflag:s8], $0x50  }
0x116: {  	[sflag:s8] =	ssyncset.done $0x0  }
0x117: {  	[sflag:s8] =	ssyncadd.s32 $0xFFFFFFB0  }
0x118: {  	[tilespmem:s13], [sflag:$0x4] =	stream.indirect.gather [hbm4b:s2+s29], $0x80, s25, s29, $0xb8;
	[tilespmem:$0x1DC80] =	vst v63  }
0x119: {  	s25 =	simm.s32 $0x4  }
0x11a: {  	_ =	swait.ge [sflag:s10], $0x50  }
0x11b: {  	[sflag:s10] =	ssyncset.done $0x0  }
0x11c: {  	[sflag:s10] =	ssyncadd.s32 $0xFFFFFFB0  }
0x11d: {  	_ =	swait.ge [sflag:s12], $0x2800  }
0x11e: {  	[sflag:s12] =	ssyncset.done $0x0  }
0x11f: {  	p4 =	seq.s32 s26, $0x4B0;
	[sflag:s12] =	ssyncadd.s32 $0xFFFFD800  }
0x120: {  	[spmem:s5] =	stream.indirect.scatter.add.f32 [tilespmem:s0], [sflag:$0xF], $0x80, s9, s29, $0xb8;
	[tilespmem:$0x1DC80] =	vst v63  }
0x121: {  	s30 =	sadd.s32 @!p4 s26, s22;
	s26 =	sadd.s32 @!p4 s26, s21;
	s24 =	simm.s32 @!p4 $0xE  }
0x122: {  	s30 =	sadd.s32 @!p4 $0x32, s30;
	s31 =	sadd.s32 @!p4 $0x32, s26;
	_ =	swait.ge @!p4 [sflag:s24], $0x2800  }
0x123: {  	s13 =	simm.s32 @!p4 $0x1DB00;
	s0 =	simm.s32 @!p4 $0x0;
	[sflag:s24] =	ssyncset.done @!p4 $0x0  }
0x124: {  	s26 =	smov.u32 s23;
	[sflag:s24] =	ssyncadd.s32 @!p4 $0xFFFFD800;
	s24 =	simm.s32 @!p4 $0x13900  }
0x125: {  	[tilespmem:s13], [sflag:$0x6] =	stream.linear.gather @!p4 [hbm4b:s30+s0], $0x50, $0x38;
	[tilespmem:$0x1DC80] =	vst v63  }
0x126: {  	s13 =	simm.s32 $0x1B280;
	_ =	sdelay $0x1  }
0x127: {  	[tilespmem:s24], [sflag:$0xA] =	stream.linear.gather @!p4 [hbm4b:s31+s0], $0x50, $0x38;
	[tilespmem:$0x1DC80] =	vst v63  }
0x128: {  	s31 =	simm.s32 $0x13A00  }
0x129: {  	_ =	swait.ge [sflag:s28], $0x50  }
0x12a: {  	[sflag:s28] =	ssyncset.done $0x0  }
0x12b: {  	[sflag:s28] =	ssyncadd.s32 $0xFFFFFFB0  }
0x12c: {  	[tilespmem:s17], [sflag:$0x1] =	stream.indirect.gather [hbm4b:s2+s29], $0x80, s19, s29, $0xb8;
	[tilespmem:$0x1DC80] =	vst v63  }
.Ltmp3:
0x12d: {  	_ =	swait.ge [sflag:s20], $0x50;
	(pc) =	sbr.rel @p3 .LBB2_3-.Ltmp3, $4  }
0x12e: {  	[sflag:s20] =	ssyncset.done $0x0  }
0x12f: {  	[sflag:s20] =	ssyncadd.s32 $0xFFFFFFB0  }
0x130: {  	_ =	swait.ge [sflag:s25], $0x2800  }
0x131: {  	s30 =	simm.s32 @!p2 $0xF;
	[sflag:s25] =	ssyncset.done $0x0  }
0x132: {  	[sflag:s25] =	ssyncadd.s32 $0xFFFFD800  }
0x133: {  	[spmem:s5] =	stream.indirect.scatter.add.f32 [tilespmem:s13], [sflag:$0x10], $0x80, s31, s29, $0xb8;
	[tilespmem:$0x1DC80] =	vst v63  }
0x134: {  	_ =	swait.ge @!p2 [sflag:s30], $0x2800  }
0x135: {  	s0 =	sadd.s32 s26, s22;
	s17 =	simm.s32 $0x1DB80;
	[sflag:s30] =	ssyncset.done @!p2 $0x0  }
0x136: {  	s1 =	sadd.s32 $0x14, s0;
	s13 =	sadd.s32 s26, s21;
	[sflag:s30] =	ssyncadd.s32 @!p2 $0xFFFFD800  }
0x137: {  	[tilespmem:s17], [sflag:$0x7] =	stream.linear.gather [hbm4b:s1+s4], $0x50, $0x38;
	[tilespmem:$0x1DC80] =	vst v63  }
0x138: {  	s9 =	simm.s32 $0x13980;
	s19 =	sadd.s32 $0x14, s13  }
0x139: {  	[tilespmem:s9], [sflag:$0xB] =	stream.linear.gather [hbm4b:s19+s4], $0x50, $0x38;
	[tilespmem:$0x1DC80] =	vst v63  }
0x13a: {  	_ =	swait.ge [sflag:s11], $0x50  }
0x13b: {  	[sflag:s11] =	ssyncset.done $0x0  }
0x13c: {  	s24 =	simm.s32 $0x1DB00;
	[sflag:s11] =	ssyncadd.s32 $0xFFFFFFB0;
	s11 =	simm.s32 $0x16280  }
0x13d: {  	[tilespmem:s11], [sflag:$0x2] =	stream.indirect.gather [hbm4b:s2+s29], $0x80, s24, s29, $0xb8;
	[tilespmem:$0x1DC80] =	vst v63  }
0x13e: {  	_ =	swait.ge [sflag:s14], $0x50  }
0x13f: {  	[sflag:s14] =	ssyncset.done $0x0  }
0x140: {  	[sflag:s14] =	ssyncadd.s32 $0xFFFFFFB0  }
0x141: {  	_ =	swait.ge [sflag:s15], $0x2800  }
0x142: {  	s16 =	simm.s32 $0x13A80;
	[sflag:s15] =	ssyncset.done $0x0  }
0x143: {  	s1 =	simm.s32 @!p2 $0x10;
	s24 =	simm.s32 $0x13880;
	[sflag:s15] =	ssyncadd.s32 $0xFFFFD800  }
0x144: {  	[spmem:s5] =	stream.indirect.scatter.add.f32 [tilespmem:s16], [sflag:$0xD], $0x80, s24, s29, $0xb8;
	[tilespmem:$0x1DC80] =	vst v63  }
0x145: {  	_ =	swait.ge @!p2 [sflag:s1], $0x2800  }
0x146: {  	[sflag:s1] =	ssyncset.done @!p2 $0x0  }
0x147: {  	s19 =	simm.s32 $0x1DC00;
	[sflag:s1] =	ssyncadd.s32 @!p2 $0xFFFFD800;
	s1 =	sadd.s32 $0x1E, s0  }
0x148: {  	[tilespmem:s19], [sflag:$0x8] =	stream.linear.gather [hbm4b:s1+s4], $0x50, $0x38;
	[tilespmem:$0x1DC80] =	vst v63  }
0x149: {  	s1 =	sadd.s32 $0x1E, s13  }
0x14a: {  	[tilespmem:s31], [sflag:$0xC] =	stream.linear.gather [hbm4b:s1+s4], $0x50, $0x38;
	[tilespmem:$0x1DC80] =	vst v63  }
0x14b: {  	_ =	swait.ge [sflag:s18], $0x50  }
0x14c: {  	[sflag:s18] =	ssyncset.done $0x0  }
0x14d: {  	s1 =	simm.s32 $0x18A80;
	[sflag:s18] =	ssyncadd.s32 $0xFFFFFFB0  }
0x14e: {  	[tilespmem:s1], [sflag:$0x3] =	stream.indirect.gather [hbm4b:s2+s29], $0x80, s17, s29, $0xb8;
	[tilespmem:$0x1DC80] =	vst v63  }
0x14f: {  	_ =	swait.ge [sflag:s3], $0x50  }
0x150: {  	[sflag:s3] =	ssyncset.done $0x0  }
0x151: {  	[sflag:s3] =	ssyncadd.s32 $0xFFFFFFB0  }
0x152: {  	_ =	swait.ge [sflag:s6], $0x2800  }
0x153: {  	[sflag:s6] =	ssyncset.done $0x0  }
0x154: {  	s17 =	simm.s32 $0x13900;
	[sflag:s6] =	ssyncadd.s32 $0xFFFFD800  }
0x155: {  	[spmem:s5] =	stream.indirect.scatter.add.f32 [tilespmem:s11], [sflag:$0xE], $0x80, s17, s29, $0xb8;
	[tilespmem:$0x1DC80] =	vst v63  }
0x156: {  	_ =	swait.ge [sflag:s7], $0x2800  }
0x157: {  	[sflag:s7] =	ssyncset.done $0x0  }
0x158: {  	s0 =	sadd.s32 $0x28, s0;
	s17 =	simm.s32 $0x1DA80;
	[sflag:s7] =	ssyncadd.s32 $0xFFFFD800  }
0x159: {  	[tilespmem:s17], [sflag:$0x5] =	stream.linear.gather [hbm4b:s0+s4], $0x50, $0x38;
	[tilespmem:$0x1DC80] =	vst v63  }
0x15a: {  	s13 =	sadd.s32 $0x28, s13  }
0x15b: {  	[tilespmem:s24], [sflag:$0x9] =	stream.linear.gather [hbm4b:s13+s4], $0x50, $0x38;
	[tilespmem:$0x1DC80] =	vst v63  }
0x15c: {  	_ =	swait.ge [sflag:s8], $0x50  }
0x15d: {  	[sflag:s8] =	ssyncset.done $0x0  }
0x15e: {  	s23 =	simm.s32 $0x1B280;
	[sflag:s8] =	ssyncadd.s32 $0xFFFFFFB0  }
0x15f: {  	[tilespmem:s23], [sflag:$0x4] =	stream.indirect.gather [hbm4b:s2+s29], $0x80, s19, s29, $0xb8;
	[tilespmem:$0x1DC80] =	vst v63  }
0x160: {  	_ =	swait.ge [sflag:s10], $0x50  }
0x161: {  	[sflag:s10] =	ssyncset.done $0x0  }
0x162: {  	[sflag:s10] =	ssyncadd.s32 $0xFFFFFFB0  }
0x163: {  	_ =	swait.ge [sflag:s12], $0x2800  }
0x164: {  	p2 =	seq.s32 s26, $0x4B0;
	[sflag:s12] =	ssyncset.done $0x0  }
0x165: {  	s0 =	simm.s32 @!p2 $0xE;
	[sflag:s12] =	ssyncadd.s32 $0xFFFFD800  }
0x166: {  	[spmem:s5] =	stream.indirect.scatter.add.f32 [tilespmem:s1], [sflag:$0xF], $0x80, s9, s29, $0xb8;
	[tilespmem:$0x1DC80] =	vst v63  }
0x167: {  	_ =	swait.ge @!p2 [sflag:s0], $0x2800  }
0x168: {  	s13 =	simm.s32 @!p2 $0x0;
	s1 =	sadd.s32 @!p2 s26, s22;
	[sflag:s0] =	ssyncset.done @!p2 $0x0  }
0x169: {  	s1 =	sadd.s32 @!p2 $0x32, s1;
	[sflag:s0] =	ssyncadd.s32 @!p2 $0xFFFFD800;
	s0 =	simm.s32 @!p2 $0x1DB00  }
0x16a: {  	[tilespmem:s0], [sflag:$0x6] =	stream.linear.gather @!p2 [hbm4b:s1+s13], $0x50, $0x38;
	[tilespmem:$0x1DC80] =	vst v63  }
0x16b: {  	s0 =	sadd.s32 @!p2 s26, s21  }
0x16c: {  	s1 =	simm.s32 @!p2 $0x13900;
	s0 =	sadd.s32 @!p2 $0x32, s0  }
0x16d: {  	[tilespmem:s1], [sflag:$0xA] =	stream.linear.gather @!p2 [hbm4b:s0+s13], $0x50, $0x38;
	[tilespmem:$0x1DC80] =	vst v63  }
0x16e: {  	_ =	swait.ge [sflag:s28], $0x50  }
0x16f: {  	[sflag:s28] =	ssyncset.done $0x0  }
0x170: {  	[sflag:s28] =	ssyncadd.s32 $0xFFFFFFB0  }
0x171: {  	[tilespmem:s16], [sflag:$0x1] =	stream.indirect.gather [hbm4b:s2+s29], $0x80, s17, s29, $0xb8;
	[tilespmem:$0x1DC80] =	vst v63  }
0x172: {  	_ =	swait.ge [sflag:s20], $0x50  }
0x173: {  	[sflag:s20] =	ssyncset.done $0x0  }
0x174: {  	[sflag:s20] =	ssyncadd.s32 $0xFFFFFFB0  }
0x175: {  	_ =	swait.ge [sflag:s25], $0x2800  }
0x176: {  	[sflag:s25] =	ssyncset.done $0x0  }
0x177: {  	[sflag:s25] =	ssyncadd.s32 $0xFFFFD800  }
0x178: {  	[spmem:s5] =	stream.indirect.scatter.add.f32 [tilespmem:s23], [sflag:$0x10], $0x80, s31, s29, $0xb8;
	[tilespmem:$0x1DC80] =	vst v63  }
0x179: {  	_ =	swait.ge [sflag:s14], $0x50  }
0x17a: {  	[sflag:s14] =	ssyncset.done $0x0  }
0x17b: {  	[sflag:s14] =	ssyncadd.s32 $0xFFFFFFB0  }
0x17c: {  	_ =	swait.ge [sflag:s15], $0x2800  }
0x17d: {  	[sflag:s15] =	ssyncset.done $0x0  }
0x17e: {  	[sflag:s15] =	ssyncadd.s32 $0xFFFFD800  }
0x17f: {  	[spmem:s5] =	stream.indirect.scatter.add.f32 [tilespmem:s16], [sflag:$0xD], $0x80, s24, s29, $0xb8;
	[tilespmem:$0x1DC80] =	vst v63  }
0x180: {  	_ =	swait.ge [sflag:s7], $0x2800  }
0x181: {  	[sflag:s7] =	ssyncset.done $0x0  }
0x182: {  	s23 =	simm.s32 $0xE;
	[sflag:s7] =	ssyncadd.s32 $0xFFFFD800  }
0x183: {  	_ =	swait.ge [sflag:s23], $0x2800  }
0x184: {  	[sflag:s23] =	ssyncset.done $0x0  }
0x185: {  	s24 =	simm.s32 $0xF;
	[sflag:s23] =	ssyncadd.s32 $0xFFFFD800  }
0x186: {  	_ =	swait.ge [sflag:s24], $0x2800  }
0x187: {  	[sflag:s24] =	ssyncset.done $0x0  }
0x188: {  	s26 =	simm.s32 $0x10;
	[sflag:s24] =	ssyncadd.s32 $0xFFFFD800  }
0x189: {  	_ =	swait.ge [sflag:s26], $0x2800  }
0x18a: {  	[sflag:s26] =	ssyncset.done $0x0  }
0x18b: {  	[sflag:s26] =	ssyncadd.s32 $0xFFFFD800  }
0x18c: {  	[bflag:$0x0] =	sbarrier.arrive $0xFFFF  }
0x18d: {  	s1 =	rddreg [dreg:$0x11]  }
0x18e: {  	s0 =	simm.s32 @p1 $0x1FD1;
	s9 =	rddreg [dreg:$0x16]  }
0x18f: {  	[hbm:s1], [sflag:s0] =	dma.local @p1 [spmem:s9], $0x2800  }
0x190: {  	s0 =	simm.s32 @p1 $0x11  }
0x191: {  	_ =	swait.ge @p1 [sflag:s0], $0x2800  }
0x192: {  	s1 =	rddreg [dreg:$0x14]  }
0x193: {  	[sflag:s0] =	ssyncset.done @p1 $0x0;
	s9 =	rddreg [dreg:$0x15]  }
0x194: {  	[sflag:s0] =	ssyncadd.s32 @p1 $0xFFFFD800;
	s0 =	rddreg [dreg:$0x10]  }
0x195: {  	[hbm:s0], [sflag:s9] =	dma.local @!p1 [spmem:s1], $0x2700  }
.Ltmp4:
0x196: {  	s0 =	simm.s32 @!p1 $0x11;
	(pc) =	sbr.rel .LBB2_8-.Ltmp4, $4  }
0x197: {  	s30 =	simm.s32 $0x1DB80;
	s11 =	simm.s32 $0x6;
	_ =	swait.ge @!p1 [sflag:s0], $0x2700  }
0x198: {  	s19 =	simm.s32 $0x1DB00;
	s17 =	simm.s32 $0x13880;
	[sflag:s0] =	ssyncset.done @!p1 $0x0  }
0x199: {  	s16 =	simm.s32 $0x1DA80;
	s1 =	rddreg [dreg:$0x13];
	[sflag:s0] =	ssyncadd.s32 @!p1 $0xFFFFD900  }
0x19a: {  	s24 =	simm.s32 $0x16280;
	s9 =	simm.s32 $0x13900;
	s31 =	rddreg [dreg:$0x1]  }
.LBB2_5:
0x19b: {  	[tilespmem:s0], [sflag:$0x1] =	stream.indirect.gather [hbm4b:s31+s29], $0x80, s16, s29, $0xb8;
	[tilespmem:$0x1DC80] =	vst v63  }
0x19c: {  	s0 =	simm.s32 @p1 $0x1FD1;
	s1 =	rddreg [dreg:$0xb]  }
0x19d: {  	[spmem:s26], [sflag:s0] =	dma.local @p1 [hbm:s1], $0x2800  }
0x19e: {  	s0 =	simm.s32 @p1 $0x11  }
0x19f: {  	_ =	swait.ge @p1 [sflag:s0], $0x2800  }
0x1a0: {  	[sflag:s0] =	ssyncset.done @p1 $0x0  }
0x1a1: {  	[sflag:s0] =	ssyncadd.s32 @p1 $0xFFFFD800;
	s0 =	rddreg [dreg:$0x9]  }
0x1a2: {  	[spmem:s23], [sflag:s9] =	dma.local @!p1 [hbm:s0], $0x2700  }
0x1a3: {  	s0 =	simm.s32 @!p1 $0x11  }
0x1a4: {  	_ =	swait.ge @!p1 [sflag:s0], $0x2700  }
0x1a5: {  	p2 =	por $0x1, $0x1;
	[sflag:s0] =	ssyncset.done @!p1 $0x0  }
0x1a6: {  	p2 =	por p2, p2;
	[sflag:s0] =	ssyncadd.s32 @!p1 $0xFFFFD900  }
0x1a7: {  	s0 =	simm.s32 @!p2 $0xF;
	[bflag:$0x0] =	sbarrier.arrive $0xFFFF  }
0x1a8: {  	_ =	swait.ge @!p2 [sflag:s0], $0x2800  }
0x1a9: {  	s1 =	sadd.s32 $0x0, s22;
	[sflag:s0] =	ssyncset.done @!p2 $0x0  }
0x1aa: {  	s13 =	sadd.s32 $0x0, s21;
	s2 =	sadd.s32 $0x14, s1;
	[sflag:s0] =	ssyncadd.s32 @!p2 $0xFFFFD800  }
0x1ab: {  	[tilespmem:s30], [sflag:$0x7] =	stream.linear.gather [hbm4b:s2+s4], $0x50, $0x38;
	[tilespmem:$0x1DC80] =	vst v63  }
0x1ac: {  	s9 =	sadd.s32 $0x14, s13;
	s2 =	simm.s32 $0x13980  }
0x1ad: {  	[tilespmem:s2], [sflag:$0xB] =	stream.linear.gather [hbm4b:s9+s4], $0x50, $0x38;
	[tilespmem:$0x1DC80] =	vst v63  }
0x1ae: {  	_ =	swait.ge [sflag:s11], $0x50  }
0x1af: {  	[sflag:s11] =	ssyncset.done $0x0  }
0x1b0: {  	[sflag:s11] =	ssyncadd.s32 $0xFFFFFFB0  }
0x1b1: {  	[tilespmem:s24], [sflag:$0x2] =	stream.indirect.gather [hbm4b:s31+s29], $0x80, s19, s29, $0xb8;
	[tilespmem:$0x1DC80] =	vst v63  }
0x1b2: {  	_ =	swait.ge [sflag:s14], $0x50  }
0x1b3: {  	[sflag:s14] =	ssyncset.done $0x0  }
0x1b4: {  	[sflag:s14] =	ssyncadd.s32 $0xFFFFFFB0  }
0x1b5: {  	_ =	swait.ge [sflag:s15], $0x2800  }
0x1b6: {  	[sflag:s15] =	ssyncset.done $0x0  }
0x1b7: {  	s0 =	simm.s32 @!p2 $0x10;
	s14 =	simm.s32 $0x13A80;
	[sflag:s15] =	ssyncadd.s32 $0xFFFFD800  }
0x1b8: {  	[spmem:s5] =	stream.indirect.scatter.add.f32 [tilespmem:s14], [sflag:$0xD], $0x80, s17, s29, $0xb8;
	[tilespmem:$0x1DC80] =	vst v63  }
0x1b9: {  	_ =	swait.ge @!p2 [sflag:s0], $0x2800  }
0x1ba: {  	[sflag:s0] =	ssyncset.done @!p2 $0x0  }
0x1bb: {  	s23 =	simm.s32 $0x1DC00;
	s15 =	sadd.s32 $0x1E, s1;
	[sflag:s0] =	ssyncadd.s32 @!p2 $0xFFFFD800  }
0x1bc: {  	[tilespmem:s23], [sflag:$0x8] =	stream.linear.gather [hbm4b:s15+s4], $0x50, $0x38;
	[tilespmem:$0x1DC80] =	vst v63  }
0x1bd: {  	s26 =	simm.s32 $0x13A00;
	s19 =	sadd.s32 $0x1E, s13  }
0x1be: {  	[tilespmem:s26], [sflag:$0xC] =	stream.linear.gather [hbm4b:s19+s4], $0x50, $0x38;
	[tilespmem:$0x1DC80] =	vst v63  }
0x1bf: {  	_ =	swait.ge [sflag:s18], $0x50  }
0x1c0: {  	[sflag:s18] =	ssyncset.done $0x0  }
0x1c1: {  	s15 =	simm.s32 $0x18A80;
	[sflag:s18] =	ssyncadd.s32 $0xFFFFFFB0  }
0x1c2: {  	[tilespmem:s15], [sflag:$0x3] =	stream.indirect.gather [hbm4b:s31+s29], $0x80, s30, s29, $0xb8;
	[tilespmem:$0x1DC80] =	vst v63  }
0x1c3: {  	_ =	swait.ge [sflag:s3], $0x50  }
0x1c4: {  	[sflag:s3] =	ssyncset.done $0x0  }
0x1c5: {  	[sflag:s3] =	ssyncadd.s32 $0xFFFFFFB0  }
0x1c6: {  	_ =	swait.ge [sflag:s6], $0x2800  }
0x1c7: {  	[sflag:s6] =	ssyncset.done $0x0  }
0x1c8: {  	s18 =	simm.s32 $0x13900;
	[sflag:s6] =	ssyncadd.s32 $0xFFFFD800  }
0x1c9: {  	[spmem:s5] =	stream.indirect.scatter.add.f32 [tilespmem:s24], [sflag:$0xE], $0x80, s18, s29, $0xb8;
	[tilespmem:$0x1DC80] =	vst v63  }
0x1ca: {  	_ =	swait.ge [sflag:s7], $0x2800  }
0x1cb: {  	[sflag:s7] =	ssyncset.done $0x0  }
0x1cc: {  	s19 =	sadd.s32 $0x28, s1;
	[sflag:s7] =	ssyncadd.s32 $0xFFFFD800  }
0x1cd: {  	[tilespmem:s16], [sflag:$0x5] =	stream.linear.gather [hbm4b:s19+s4], $0x50, $0x38;
	[tilespmem:$0x1DC80] =	vst v63  }
0x1ce: {  	s24 =	sadd.s32 $0x28, s13  }
0x1cf: {  	[tilespmem:s17], [sflag:$0x9] =	stream.linear.gather [hbm4b:s24+s4], $0x50, $0x38;
	[tilespmem:$0x1DC80] =	vst v63  }
0x1d0: {  	_ =	swait.ge [sflag:s8], $0x50  }
0x1d1: {  	[sflag:s8] =	ssyncset.done $0x0  }
0x1d2: {  	s26 =	simm.s32 $0x1B280;
	[sflag:s8] =	ssyncadd.s32 $0xFFFFFFB0  }
0x1d3: {  	[tilespmem:s26], [sflag:$0x4] =	stream.indirect.gather [hbm4b:s31+s29], $0x80, s23, s29, $0xb8;
	[tilespmem:$0x1DC80] =	vst v63  }
0x1d4: {  	_ =	swait.ge [sflag:s10], $0x50  }
0x1d5: {  	[sflag:s10] =	ssyncset.done $0x0  }
0x1d6: {  	[sflag:s10] =	ssyncadd.s32 $0xFFFFFFB0  }
0x1d7: {  	_ =	swait.ge [sflag:s12], $0x2800  }
0x1d8: {  	p2 =	por $0x0, $0x0;
	[sflag:s12] =	ssyncset.done $0x0  }
0x1d9: {  	s0 =	simm.s32 @!p2 $0xE;
	[sflag:s12] =	ssyncadd.s32 $0xFFFFD800  }
0x1da: {  	[spmem:s5] =	stream.indirect.scatter.add.f32 [tilespmem:s15], [sflag:$0xF], $0x80, s2, s29, $0xb8;
	[tilespmem:$0x1DC80] =	vst v63  }
0x1db: {  	s1 =	sadd.s32 @!p2 $0x0, s22;
	_ =	swait.ge @!p2 [sflag:s0], $0x2800  }
0x1dc: {  	s1 =	sadd.s32 @!p2 $0x32, s1;
	[sflag:s0] =	ssyncset.done @!p2 $0x0  }
0x1dd: {  	s13 =	simm.s32 @!p2 $0x0;
	[sflag:s0] =	ssyncadd.s32 @!p2 $0xFFFFD800;
	s0 =	simm.s32 @!p2 $0x1DB00  }
0x1de: {  	[tilespmem:s0], [sflag:$0x6] =	stream.linear.gather @!p2 [hbm4b:s1+s13], $0x50, $0x38;
	[tilespmem:$0x1DC80] =	vst v63  }
0x1df: {  	s0 =	sadd.s32 @!p2 $0x0, s21  }
0x1e0: {  	s1 =	simm.s32 @!p2 $0x13900;
	s0 =	sadd.s32 @!p2 $0x32, s0  }
0x1e1: {  	[tilespmem:s1], [sflag:$0xA] =	stream.linear.gather @!p2 [hbm4b:s0+s13], $0x50, $0x38;
	[tilespmem:$0x1DC80] =	vst v63  }
0x1e2: {  	p6 =	por $0x0, $0x0;
	_ =	swait.ge [sflag:s28], $0x50  }
0x1e3: {  	s3 =	simm.s32 $0x7;
	s6 =	simm.s32 $0xA;
	[sflag:s28] =	ssyncset.done $0x0  }
0x1e4: {  	s18 =	simm.s32 $0x1;
	s7 =	simm.s32 $0x2;
	[sflag:s28] =	ssyncadd.s32 $0xFFFFFFB0  }
0x1e5: {  	[tilespmem:s14], [sflag:$0x1] =	stream.indirect.gather [hbm4b:s31+s29], $0x80, s16, s29, $0xb8;
	[tilespmem:$0x1DC80] =	vst v63  }
0x1e6: {  	s26 =	simm.s32 $0x28;
	s10 =	simm.s32 $0x8;
	_ =	swait.ge [sflag:s20], $0x50  }
0x1e7: {  	s12 =	simm.s32 $0xB;
	s15 =	simm.s32 $0x9;
	[sflag:s20] =	ssyncset.done $0x0  }
0x1e8: {  	p2 =	por p6, p6;
	s1 =	simm.s32 $0x50;
	[sflag:s20] =	ssyncadd.s32 $0xFFFFFFB0  }
0x1e9: {  	s30 =	simm.s32 @!p2 $0xF;
	s16 =	simm.s32 $0x4;
	_ =	swait.ge [sflag:s25], $0x2800  }
0x1ea: {  	s20 =	simm.s32 $0x3;
	[sflag:s25] =	ssyncset.done $0x0;
	s25 =	simm.s32 $0xC  }
.LBB2_6:
0x1eb: {  	[sflag:s16] =	ssyncadd.s32 $0xFFFFD800;
	s13 =	simm.s32 $0x13A00;
	s14 =	simm.s32 $0x1B280  }
0x1ec: {  	[spmem:s5] =	stream.indirect.scatter.add.f32 [tilespmem:s14], [sflag:$0x10], $0x80, s13, s29, $0xb8;
	[tilespmem:$0x1DC80] =	vst v63  }
0x1ed: {  	_ =	swait.ge @!p2 [sflag:s30], $0x2800  }
0x1ee: {  	s24 =	sadd.s32 s26, s22;
	s8 =	simm.s32 $0x1DB80;
	[sflag:s30] =	ssyncset.done @!p2 $0x0  }
0x1ef: {  	s0 =	sadd.s32 $0x14, s24;
	[sflag:s30] =	ssyncadd.s32 @!p2 $0xFFFFD800;
	s30 =	sadd.s32 s26, s21  }
0x1f0: {  	[tilespmem:s8], [sflag:$0x7] =	stream.linear.gather [hbm4b:s0+s4], $0x50, $0x38;
	[tilespmem:$0x1DC80] =	vst v63  }
0x1f1: {  	s2 =	smov.u32 s5;
	s5 =	simm.s32 $0x13980;
	s9 =	sadd.s32 $0x14, s30  }
0x1f2: {  	[tilespmem:s5], [sflag:$0xB] =	stream.linear.gather [hbm4b:s9+s4], $0x50, $0x38;
	[tilespmem:$0x1DC80] =	vst v63  }
0x1f3: {  	_ =	swait.ge [sflag:s11], $0x50  }
0x1f4: {  	[sflag:s11] =	ssyncset.done $0x0  }
0x1f5: {  	s19 =	simm.s32 $0x16280;
	s17 =	simm.s32 $0x1DB00;
	[sflag:s11] =	ssyncadd.s32 $0xFFFFFFB0  }
0x1f6: {  	[tilespmem:s19], [sflag:$0x2] =	stream.indirect.gather [hbm4b:s31+s29], $0x80, s17, s29, $0xb8;
	[tilespmem:$0x1DC80] =	vst v63  }
0x1f7: {  	_ =	swait.ge [sflag:s15], $0x50  }
0x1f8: {  	[sflag:s15] =	ssyncset.done $0x0  }
0x1f9: {  	[sflag:s15] =	ssyncadd.s32 $0xFFFFFFB0  }
0x1fa: {  	_ =	swait.ge [sflag:s18], $0x2800  }
0x1fb: {  	s0 =	simm.s32 @!p2 $0x10;
	[sflag:s18] =	ssyncset.done $0x0  }
0x1fc: {  	s9 =	simm.s32 $0x13A80;
	s17 =	simm.s32 $0x13880;
	[sflag:s18] =	ssyncadd.s32 $0xFFFFD800  }
0x1fd: {  	[spmem:s2] =	stream.indirect.scatter.add.f32 [tilespmem:s9], [sflag:$0xD], $0x80, s17, s29, $0xb8;
	[tilespmem:$0x1DC80] =	vst v63  }
0x1fe: {  	_ =	swait.ge @!p2 [sflag:s0], $0x2800  }
0x1ff: {  	[sflag:s0] =	ssyncset.done @!p2 $0x0  }
0x200: {  	s28 =	simm.s32 $0x1DC00;
	[sflag:s0] =	ssyncadd.s32 @!p2 $0xFFFFD800;
	s0 =	sadd.s32 $0x1E, s24  }
0x201: {  	[tilespmem:s28], [sflag:$0x8] =	stream.linear.gather [hbm4b:s0+s4], $0x50, $0x38;
	[tilespmem:$0x1DC80] =	vst v63  }
0x202: {  	s0 =	sadd.s32 $0x1E, s30  }
0x203: {  	[tilespmem:s13], [sflag:$0xC] =	stream.linear.gather [hbm4b:s0+s4], $0x50, $0x38;
	[tilespmem:$0x1DC80] =	vst v63  }
0x204: {  	_ =	swait.ge [sflag:s3], $0x50  }
0x205: {  	[sflag:s3] =	ssyncset.done $0x0  }
0x206: {  	s13 =	simm.s32 $0x18A80;
	[sflag:s3] =	ssyncadd.s32 $0xFFFFFFB0  }
0x207: {  	[tilespmem:s13], [sflag:$0x3] =	stream.indirect.gather [hbm4b:s31+s29], $0x80, s8, s29, $0xb8;
	[tilespmem:$0x1DC80] =	vst v63  }
0x208: {  	_ =	swait.ge [sflag:s6], $0x50  }
0x209: {  	[sflag:s6] =	ssyncset.done $0x0  }
0x20a: {  	[sflag:s6] =	ssyncadd.s32 $0xFFFFFFB0  }
0x20b: {  	_ =	swait.ge [sflag:s7], $0x2800  }
0x20c: {  	[sflag:s7] =	ssyncset.done $0x0  }
0x20d: {  	s8 =	simm.s32 $0x13900;
	[sflag:s7] =	ssyncadd.s32 $0xFFFFD800  }
0x20e: {  	[spmem:s2] =	stream.indirect.scatter.add.f32 [tilespmem:s19], [sflag:$0xE], $0x80, s8, s29, $0xb8;
	[tilespmem:$0x1DC80] =	vst v63  }
0x20f: {  	s19 =	simm.s32 $0xD  }
0x210: {  	_ =	swait.ge [sflag:s19], $0x2800  }
0x211: {  	[sflag:s19] =	ssyncset.done $0x0  }
0x212: {  	s24 =	sadd.s32 $0x28, s24;
	s8 =	simm.s32 $0x1DA80;
	[sflag:s19] =	ssyncadd.s32 $0xFFFFD800  }
0x213: {  	[tilespmem:s8], [sflag:$0x5] =	stream.linear.gather [hbm4b:s24+s4], $0x50, $0x38;
	[tilespmem:$0x1DC80] =	vst v63  }
0x214: {  	s24 =	sadd.s32 $0x28, s30  }
0x215: {  	[tilespmem:s17], [sflag:$0x9] =	stream.linear.gather [hbm4b:s24+s4], $0x50, $0x38;
	[tilespmem:$0x1DC80] =	vst v63  }
0x216: {  	_ =	swait.ge [sflag:s10], $0x50  }
0x217: {  	[sflag:s10] =	ssyncset.done $0x0  }
0x218: {  	[sflag:s10] =	ssyncadd.s32 $0xFFFFFFB0  }
0x219: {  	[tilespmem:s14], [sflag:$0x4] =	stream.indirect.gather [hbm4b:s31+s29], $0x80, s28, s29, $0xb8;
	[tilespmem:$0x1DC80] =	vst v63  }
0x21a: {  	_ =	swait.ge [sflag:s12], $0x50  }
0x21b: {  	[sflag:s12] =	ssyncset.done $0x0  }
0x21c: {  	[sflag:s12] =	ssyncadd.s32 $0xFFFFFFB0  }
0x21d: {  	p4 =	seq.s32 s1, $0x0;
	_ =	swait.ge [sflag:s20], $0x2800  }
0x21e: {  	p2 =	por p4, p4;
	p4 =	seq.s32 s26, $0x4B0;
	[sflag:s20] =	ssyncset.done $0x0  }
0x21f: {  	s0 =	simm.s32 @!p4 $0xE;
	[sflag:s20] =	ssyncadd.s32 $0xFFFFD800  }
0x220: {  	[spmem:s2] =	stream.indirect.scatter.add.f32 [tilespmem:s13], [sflag:$0xF], $0x80, s5, s29, $0xb8;
	[tilespmem:$0x1DC80] =	vst v63  }
0x221: {  	s30 =	simm.s32 @!p4 $0x0;
	_ =	swait.ge @!p4 [sflag:s0], $0x2800  }
0x222: {  	s24 =	sadd.s32 @!p4 s26, s21;
	s13 =	sadd.s32 @!p4 s26, s22;
	[sflag:s0] =	ssyncset.done @!p4 $0x0  }
0x223: {  	s31 =	simm.s32 @!p4 $0x1DB00;
	s13 =	sadd.s32 @!p4 $0x32, s13;
	[sflag:s0] =	ssyncadd.s32 @!p4 $0xFFFFD800  }
0x224: {  	[tilespmem:s31], [sflag:$0x6] =	stream.linear.gather @!p4 [hbm4b:s13+s30], $0x50, $0x38;
	[tilespmem:$0x1DC80] =	vst v63  }
0x225: {  	s24 =	sadd.s32 @!p4 $0x32, s24;
	s28 =	simm.s32 $0x5;
	s0 =	simm.s32 @!p4 $0x13900  }
0x226: {  	[tilespmem:s0], [sflag:$0xA] =	stream.linear.gather @!p4 [hbm4b:s24+s30], $0x50, $0x38;
	[tilespmem:$0x1DC80] =	vst v63  }
0x227: {  	s31 =	rddreg [dreg:$0x1];
	_ =	swait.ge [sflag:s28], $0x50  }
0x228: {  	s23 =	smov.u32 s1;
	s1 =	sadd.s32 $0x28, s1;
	[sflag:s28] =	ssyncset.done $0x0  }
0x229: {  	p3 =	sne.s32 s1, $0x4D8;
	[sflag:s28] =	ssyncadd.s32 $0xFFFFFFB0  }
0x22a: {  	[tilespmem:s9], [sflag:$0x1] =	stream.indirect.gather [hbm4b:s31+s29], $0x80, s8, s29, $0xb8;
	[tilespmem:$0x1DC80] =	vst v63  }
.Ltmp5:
0x22b: {  	_ =	swait.ge [sflag:s25], $0x50;
	(pc) =	sbr.rel @p3 .LBB2_6-.Ltmp5, $4  }
0x22c: {  	[sflag:s25] =	ssyncset.done $0x0  }
0x22d: {  	[sflag:s25] =	ssyncadd.s32 $0xFFFFFFB0  }
0x22e: {  	s5 =	smov.u32 s2;
	_ =	swait.ge [sflag:s16], $0x2800  }
0x22f: {  	s26 =	smov.u32 s23;
	s30 =	simm.s32 @!p2 $0xF;
	[sflag:s16] =	ssyncset.done $0x0  }
.Ltmp6:
0x230: {  	_ = 	snop;
	(pc) =	sbr.rel .LBB2_7-.Ltmp6, $1  }
0x231: {  	_ =	sdelay $0x3  }
.LBB2_9:
0x232: {  	_ =	sfence.sel $0x180000  }
0x233: {  	[bflag:$0x0] =	sbarrier.arrive $0xFFFF  }
0x234: {  	_ =	strace $0x90000047  }
0x235: {  	s0 =	stileid.u32;
	[bflag:$0x2] =	sbarrier.arrive $0xFFFF  }
0x236: {  	p0 =	sne.s32 s0, $0x0;
	s0 =	rddreg [dreg:$0x3]  }
0x237: {  	s0 =	sadd.s32 @!p0 $0x100000, s0  }
0x238: {  	[sflag:s0] =	ssyncadd.tile.s32 @!p0 $0x1;
	_ =	shalt  }
.Lfunc_end2:
_tile_overlayer_lowered:
.L_overlay_start_2:
0x239: {  	(tag) =	ssettag $0x2  }
0x23a: {  	s0 =	rddreg [dreg:$0x0];
	s2 =	stileid.u32  }
0x23b: {  	s1 =	rddreg [dreg:$0x1];
	p0 =	sne.s32 s2, $0x0  }
0x23c: {  	s3 =	rddreg [dreg:$0x2];
	[bflag:$0x3] =	sbarrier.arrive $0xFFFF;
	s2 =	simm.s32 @!p0 $0x1C11  }
0x23d: {  	[timem:s3], [sflag:s2] =	dma.local @!p0 [hbm:s0], s1  }
0x23e: {  	s0 =	simm.s32 @!p0 $0x11  }
0x23f: {  	_ =	swait.ge @!p0 [sflag:s0], s1  }
0x240: {  	s1 =	ssub.s32 @!p0 $0x0, s1;
	[sflag:s0] =	ssyncset.done @!p0 $0x0  }
0x241: {  	[sflag:s0] =	ssyncadd.s32 @!p0 s1  }
0x242: {  	[bflag:$0x3] =	sbarrier.arrive $0xFFFF  }
0x243: {  	_ =	shalt  }

</sc_bundles>
